<compile_context>
chip_gen: v7x
topology: tpu7x:2x2x1
jax: 0.10.2.dev20260603
libtpu: 0.0.44.dev20260713+nightly
codegen_flags: <defaults>
</compile_context>

<pallas_src>
import functools

import jax
import jax.numpy as jnp
from jax import lax
from jax.experimental import pallas as pl
from jax.experimental.pallas import tpu as pltpu
from jax.experimental.pallas import tpu_sc as plsc

VOCAB = 100000
DIM = 128
CTX = 10
BATCH = 1024

LANES = 16
NC, NS = 2, 16
NW = NC * NS
B_PER_W = BATCH // NW
IDX_PER_W = B_PER_W * CTX
CHUNK_B = 8
CHUNK_IDX = CHUNK_B * CTX
N_CHUNKS = B_PER_W // CHUNK_B
D_VECS = DIM // LANES


@functools.cache
def _sc_gather_sum_fn():
    mesh = plsc.VectorSubcoreMesh(core_axis_name="c", subcore_axis_name="s")

    @functools.partial(
        pl.kernel,
        mesh=mesh,
        out_type=jax.ShapeDtypeStruct((BATCH, DIM), jnp.float32),
        scratch_types=[
            pltpu.VMEM((N_CHUNKS, CHUNK_IDX), jnp.int32),
            pltpu.VMEM((IDX_PER_W, DIM), jnp.float32),
            pltpu.VMEM((B_PER_W, DIM), jnp.float32),
            pltpu.VMEM((CTX, LANES), jnp.float32),
            pltpu.SemaphoreType.DMA,
        ],
    )
    def _sc_gather_sum(idx_hbm, table_hbm, wbc_hbm, out_hbm,
                       idx_v, rows_v, u_v, w_v, sem):
        wid = lax.axis_index("s") * NC + lax.axis_index("c")
        pltpu.sync_copy(wbc_hbm, w_v)
        pltpu.sync_copy(idx_hbm.at[wid], idx_v)
        copies = []
        for ci in range(N_CHUNKS):
            copies.append(pltpu.async_copy(
                table_hbm.at[idx_v.at[ci]],
                rows_v.at[pl.ds(ci * CHUNK_IDX, CHUNK_IDX)],
                sem))
        for cp in copies:
            cp.wait()

        def body(b, carry):
            for d in range(D_VECS):
                acc = jnp.zeros((LANES,), jnp.float32)
                for c in range(CTX):
                    acc = acc + w_v[c, :] * rows_v[b * CTX + c, pl.ds(d * LANES, LANES)]
                u_v[b, pl.ds(d * LANES, LANES)] = acc
            return carry

        lax.fori_loop(0, B_PER_W, body, 0)
        pltpu.sync_copy(u_v, out_hbm.at[pl.ds(wid * B_PER_W, B_PER_W)])

    return _sc_gather_sum


V_BLK = 4096

_NT = (((1,), (1,)), ((), ()))


def _mm_body(u_ref, w_ref, o_ref):
    acc = lax.dot_general(
        u_ref[...], w_ref[...],
        dimension_numbers=_NT,
        preferred_element_type=jnp.float32)
    o_ref[...] = acc.astype(jnp.bfloat16)


def _tc_matmul(u, lin_w):
    return pl.pallas_call(
        _mm_body,
        grid=(pl.cdiv(VOCAB, V_BLK),),
        in_specs=[
            pl.BlockSpec((BATCH, DIM), lambda i: (0, 0)),
            pl.BlockSpec((V_BLK, DIM), lambda i: (i, 0)),
        ],
        out_specs=pl.BlockSpec((BATCH, V_BLK), lambda i: (0, i)),
        out_shape=jax.ShapeDtypeStruct((BATCH, VOCAB), jnp.bfloat16),
    )(u, lin_w)


def kernel(input, emb_table, lin_w, weigths):
    idx = input.astype(jnp.int32).reshape(NW, N_CHUNKS, CHUNK_IDX)
    wbc = jnp.broadcast_to(
        weigths.astype(jnp.float32)[:, None], (CTX, LANES))
    u = _sc_gather_sum_fn()(idx, emb_table, wbc)
    return _tc_matmul(u, lin_w).astype(jnp.float32)

# --- scband reference (transcript-rebuilt; emitter-appended) ---
"""Pipeline reference for scband-cbow-60043642798159 (READ-ONLY COPY).

The authoritative reference and input builder live on the scoring server;
editing this copy changes nothing except your own understanding.
"""

import jax, jax.numpy as jnp
import numpy as np

VOCAB = 100000
DIM = 128
CTX = 10
BATCH = 1024

def setup_inputs(seed: int = 0) -> dict:
    key = jax.random.key(seed)
    k1, k2, k3 = jax.random.split(key, 3)
    inp = jax.random.randint(k1, (BATCH, CTX), 0, VOCAB, dtype=jnp.int64)
    emb_table = jax.random.normal(k2, (VOCAB, DIM), dtype=jnp.float32)
    # padding_idx=0: row 0 is zero
    emb_table = emb_table.at[0].set(0.0)
    lin_w = jax.random.normal(k3, (VOCAB, DIM), dtype=jnp.float32) * 0.02  # torch Linear weight [out, in]
    weigths = jnp.ones((CTX,), dtype=jnp.float32)
    return {"input": inp, "emb_table": emb_table, "lin_w": lin_w, "weigths": weigths}

def reference(input, emb_table, lin_w, weigths):
    # e = self.emb(input)  -> [B, C, D]
    e = jnp.take(emb_table, input, axis=0)
    # u = (e * weigths[None, :, None]).sum(dim=1)  -> [B, D]
    u = (e * weigths[None, :, None]).sum(axis=1)
    # z = self.lin(u)  (Linear no bias): u @ W^T -> [B, V]
    z = u @ lin_w.T
    return z

if __name__ == "__main__":
    import jax
    _d = setup_inputs()
    print(jax.jit(kernel)(*tuple(_d.values())))

</pallas_src>

<mosaic_0001>
#map = affine_map<(d0, d1) -> (0, 0, 0)>
#map1 = affine_map<(d0, d1) -> (0, 0)>
module attributes {stable_mosaic.version = 14 : i64} {
  func.func @_sc_gather_sum(%arg0: i32, %arg1: i32, %arg2: memref<32x4x80xi32, #tpu.memory_space<hbm>>, %arg3: memref<100000x128xf32, #tpu.memory_space<hbm>>, %arg4: memref<10x16xf32, #tpu.memory_space<hbm>>, %arg5: memref<1024x128xf32, #tpu.memory_space<hbm>>, %arg6: memref<4x80xi32, #tpu.memory_space<vmem>>, %arg7: memref<320x128xf32, #tpu.memory_space<vmem>>, %arg8: memref<32x128xf32, #tpu.memory_space<vmem>>, %arg9: memref<10x16xf32, #tpu.memory_space<vmem>>, %arg10: memref<!tpu.dma_semaphore, #tpu.memory_space<semaphore_mem>>) attributes {dimension_semantics = [#tpu.dimension_semantics<core_parallel>, #tpu.dimension_semantics<subcore_parallel>], iteration_bounds = array<i64: 2, 16>, scalar_prefetch = 0 : i64, scratch_operands = 5 : i64, tpu.core_type = #tpu.core_type<sc_vector_subcore>, window_params = [{transform_indices = #map}, {transform_indices = #map1}, {transform_indices = #map1}, {transform_indices = #map1}]} {
    %mul3A = arith.constant 2 : i32
    %mul3A_0 = arith.muli %arg1, %mul3A : i32
    %add3A = arith.addi %mul3A_0, %arg0 : i32
    "tpu.region"() ({
      %run_scoped3A = tpu.sem_alloc : memref<!tpu.dma_semaphore, #tpu.memory_space<semaphore_mem>>
      tpu.enqueue_dma source(%arg4 : memref<10x16xf32, #tpu.memory_space<hbm>>) target(%arg9 : memref<10x16xf32, #tpu.memory_space<vmem>>) target_semaphore(%run_scoped3A : memref<!tpu.dma_semaphore, #tpu.memory_space<semaphore_mem>>)
      tpu.wait_dma2 semaphore(%run_scoped3A : memref<!tpu.dma_semaphore, #tpu.memory_space<semaphore_mem>>) src(%arg4 : memref<10x16xf32, #tpu.memory_space<hbm>>) dst(%arg9 : memref<10x16xf32, #tpu.memory_space<vmem>>)
      tpu.yield
    }) : () -> ()
    "tpu.region"() ({
      %run_scoped3A = tpu.sem_alloc : memref<!tpu.dma_semaphore, #tpu.memory_space<semaphore_mem>>
      %dma_start3A_86 = arith.constant 0 : i32
      %dma_start3A_87 = arith.constant 0 : i32
      %dma_start3A_88 = tpu.memref_slice %arg2[%add3A, %dma_start3A_86, %dma_start3A_87] : memref<32x4x80xi32, #tpu.memory_space<hbm>> -> memref<1x4x80xi32, #tpu.memory_space<hbm>>
      %dma_start3A_89 = tpu.memref_squeeze %dma_start3A_88 : memref<1x4x80xi32, #tpu.memory_space<hbm>> -> memref<4x80xi32, #tpu.memory_space<hbm>>
      %dma_start3A_90 = arith.constant 0 : i32
      %dma_start3A_91 = arith.constant 0 : i32
      %dma_start3A_92 = tpu.memref_slice %arg2[%add3A, %dma_start3A_90, %dma_start3A_91] : memref<32x4x80xi32, #tpu.memory_space<hbm>> -> memref<1x4x80xi32, #tpu.memory_space<hbm>>
      %dma_start3A_93 = tpu.memref_squeeze %dma_start3A_92 : memref<1x4x80xi32, #tpu.memory_space<hbm>> -> memref<4x80xi32, #tpu.memory_space<hbm>>
      tpu.enqueue_dma source(%dma_start3A_93 : memref<4x80xi32, #tpu.memory_space<hbm>>) target(%arg6 : memref<4x80xi32, #tpu.memory_space<vmem>>) target_semaphore(%run_scoped3A : memref<!tpu.dma_semaphore, #tpu.memory_space<semaphore_mem>>)
      %dma_wait3A_94 = arith.constant 0 : i32
      %dma_wait3A_95 = arith.constant 0 : i32
      %dma_wait3A_96 = tpu.memref_slice %arg2[%add3A, %dma_wait3A_94, %dma_wait3A_95] : memref<32x4x80xi32, #tpu.memory_space<hbm>> -> memref<1x4x80xi32, #tpu.memory_space<hbm>>
      %dma_wait3A_97 = tpu.memref_squeeze %dma_wait3A_96 : memref<1x4x80xi32, #tpu.memory_space<hbm>> -> memref<4x80xi32, #tpu.memory_space<hbm>>
      %dma_wait3A_98 = arith.constant 0 : i32
      %dma_wait3A_99 = arith.constant 0 : i32
      %dma_wait3A_100 = tpu.memref_slice %arg2[%add3A, %dma_wait3A_98, %dma_wait3A_99] : memref<32x4x80xi32, #tpu.memory_space<hbm>> -> memref<1x4x80xi32, #tpu.memory_space<hbm>>
      %dma_wait3A_101 = tpu.memref_squeeze %dma_wait3A_100 : memref<1x4x80xi32, #tpu.memory_space<hbm>> -> memref<4x80xi32, #tpu.memory_space<hbm>>
      tpu.wait_dma2 semaphore(%run_scoped3A : memref<!tpu.dma_semaphore, #tpu.memory_space<semaphore_mem>>) src(%dma_wait3A_101 : memref<4x80xi32, #tpu.memory_space<hbm>>) dst(%arg6 : memref<4x80xi32, #tpu.memory_space<vmem>>)
      tpu.yield
    }) : () -> ()
    %dma_start3A = arith.constant 0 : i32
    %dma_start3A_1 = arith.constant 0 : i32
    %dma_start3A_2 = arith.constant 0 : i32
    %dma_start3A_3 = tpu.memref_slice %arg7[%dma_start3A_1, %dma_start3A_2] : memref<320x128xf32, #tpu.memory_space<vmem>> -> memref<80x128xf32, #tpu.memory_space<vmem>>
    %dma_start3A_4 = arith.constant 0 : i32
    %dma_start3A_5 = tpu.memref_slice %arg6[%dma_start3A, %dma_start3A_4] : memref<4x80xi32, #tpu.memory_space<vmem>> -> memref<1x80xi32, #tpu.memory_space<vmem>>
    %dma_start3A_6 = tpu.memref_squeeze %dma_start3A_5 : memref<1x80xi32, #tpu.memory_space<vmem>> -> memref<80xi32, #tpu.memory_space<vmem>>
    %dma_start3A_7 = arith.constant 0 : i32
    %dma_start3A_8 = arith.constant 0 : i32
    %dma_start3A_9 = tpu.memref_slice %arg3[%dma_start3A_7, %dma_start3A_8] : memref<100000x128xf32, #tpu.memory_space<hbm>> -> memref<100000x128xf32, #tpu.memory_space<hbm>>
    tpu.enqueue_indirect_dma source(%dma_start3A_9 : memref<100000x128xf32, #tpu.memory_space<hbm>>) target(%dma_start3A_3 : memref<80x128xf32, #tpu.memory_space<vmem>>) offsets(%dma_start3A_6 : memref<80xi32, #tpu.memory_space<vmem>>) semaphore(%arg10 : memref<!tpu.dma_semaphore, #tpu.memory_space<semaphore_mem>>)
    %dma_start3A_10 = arith.constant 1 : i32
    %dma_start3A_11 = arith.constant 80 : i32
    %dma_start3A_12 = arith.constant 0 : i32
    %dma_start3A_13 = tpu.memref_slice %arg7[%dma_start3A_11, %dma_start3A_12] : memref<320x128xf32, #tpu.memory_space<vmem>> -> memref<80x128xf32, #tpu.memory_space<vmem>>
    %dma_start3A_14 = arith.constant 0 : i32
    %dma_start3A_15 = tpu.memref_slice %arg6[%dma_start3A_10, %dma_start3A_14] : memref<4x80xi32, #tpu.memory_space<vmem>> -> memref<1x80xi32, #tpu.memory_space<vmem>>
    %dma_start3A_16 = tpu.memref_squeeze %dma_start3A_15 : memref<1x80xi32, #tpu.memory_space<vmem>> -> memref<80xi32, #tpu.memory_space<vmem>>
    %dma_start3A_17 = arith.constant 0 : i32
    %dma_start3A_18 = arith.constant 0 : i32
    %dma_start3A_19 = tpu.memref_slice %arg3[%dma_start3A_17, %dma_start3A_18] : memref<100000x128xf32, #tpu.memory_space<hbm>> -> memref<100000x128xf32, #tpu.memory_space<hbm>>
    tpu.enqueue_indirect_dma source(%dma_start3A_19 : memref<100000x128xf32, #tpu.memory_space<hbm>>) target(%dma_start3A_13 : memref<80x128xf32, #tpu.memory_space<vmem>>) offsets(%dma_start3A_16 : memref<80xi32, #tpu.memory_space<vmem>>) semaphore(%arg10 : memref<!tpu.dma_semaphore, #tpu.memory_space<semaphore_mem>>)
    %dma_start3A_20 = arith.constant 2 : i32
    %dma_start3A_21 = arith.constant 160 : i32
    %dma_start3A_22 = arith.constant 0 : i32
    %dma_start3A_23 = tpu.memref_slice %arg7[%dma_start3A_21, %dma_start3A_22] : memref<320x128xf32, #tpu.memory_space<vmem>> -> memref<80x128xf32, #tpu.memory_space<vmem>>
    %dma_start3A_24 = arith.constant 0 : i32
    %dma_start3A_25 = tpu.memref_slice %arg6[%dma_start3A_20, %dma_start3A_24] : memref<4x80xi32, #tpu.memory_space<vmem>> -> memref<1x80xi32, #tpu.memory_space<vmem>>
    %dma_start3A_26 = tpu.memref_squeeze %dma_start3A_25 : memref<1x80xi32, #tpu.memory_space<vmem>> -> memref<80xi32, #tpu.memory_space<vmem>>
    %dma_start3A_27 = arith.constant 0 : i32
    %dma_start3A_28 = arith.constant 0 : i32
    %dma_start3A_29 = tpu.memref_slice %arg3[%dma_start3A_27, %dma_start3A_28] : memref<100000x128xf32, #tpu.memory_space<hbm>> -> memref<100000x128xf32, #tpu.memory_space<hbm>>
    tpu.enqueue_indirect_dma source(%dma_start3A_29 : memref<100000x128xf32, #tpu.memory_space<hbm>>) target(%dma_start3A_23 : memref<80x128xf32, #tpu.memory_space<vmem>>) offsets(%dma_start3A_26 : memref<80xi32, #tpu.memory_space<vmem>>) semaphore(%arg10 : memref<!tpu.dma_semaphore, #tpu.memory_space<semaphore_mem>>)
    %dma_start3A_30 = arith.constant 3 : i32
    %dma_start3A_31 = arith.constant 240 : i32
    %dma_start3A_32 = arith.constant 0 : i32
    %dma_start3A_33 = tpu.memref_slice %arg7[%dma_start3A_31, %dma_start3A_32] : memref<320x128xf32, #tpu.memory_space<vmem>> -> memref<80x128xf32, #tpu.memory_space<vmem>>
    %dma_start3A_34 = arith.constant 0 : i32
    %dma_start3A_35 = tpu.memref_slice %arg6[%dma_start3A_30, %dma_start3A_34] : memref<4x80xi32, #tpu.memory_space<vmem>> -> memref<1x80xi32, #tpu.memory_space<vmem>>
    %dma_start3A_36 = tpu.memref_squeeze %dma_start3A_35 : memref<1x80xi32, #tpu.memory_space<vmem>> -> memref<80xi32, #tpu.memory_space<vmem>>
    %dma_start3A_37 = arith.constant 0 : i32
    %dma_start3A_38 = arith.constant 0 : i32
    %dma_start3A_39 = tpu.memref_slice %arg3[%dma_start3A_37, %dma_start3A_38] : memref<100000x128xf32, #tpu.memory_space<hbm>> -> memref<100000x128xf32, #tpu.memory_space<hbm>>
    tpu.enqueue_indirect_dma source(%dma_start3A_39 : memref<100000x128xf32, #tpu.memory_space<hbm>>) target(%dma_start3A_33 : memref<80x128xf32, #tpu.memory_space<vmem>>) offsets(%dma_start3A_36 : memref<80xi32, #tpu.memory_space<vmem>>) semaphore(%arg10 : memref<!tpu.dma_semaphore, #tpu.memory_space<semaphore_mem>>)
    %dma_wait3A = arith.constant 0 : i32
    %dma_wait3A_40 = arith.constant 0 : i32
    %dma_wait3A_41 = arith.constant 0 : i32
    %dma_wait3A_42 = tpu.memref_slice %arg7[%dma_wait3A_40, %dma_wait3A_41] : memref<320x128xf32, #tpu.memory_space<vmem>> -> memref<80x128xf32, #tpu.memory_space<vmem>>
    %dma_wait3A_43 = arith.constant 0 : i32
    %dma_wait3A_44 = tpu.memref_slice %arg6[%dma_wait3A, %dma_wait3A_43] : memref<4x80xi32, #tpu.memory_space<vmem>> -> memref<1x80xi32, #tpu.memory_space<vmem>>
    %dma_wait3A_45 = tpu.memref_squeeze %dma_wait3A_44 : memref<1x80xi32, #tpu.memory_space<vmem>> -> memref<80xi32, #tpu.memory_space<vmem>>
    %dma_wait3A_46 = arith.constant 0 : i32
    %dma_wait3A_47 = arith.constant 0 : i32
    %dma_wait3A_48 = tpu.memref_slice %arg3[%dma_wait3A_46, %dma_wait3A_47] : memref<100000x128xf32, #tpu.memory_space<hbm>> -> memref<100000x128xf32, #tpu.memory_space<hbm>>
    tpu.wait_indirect_dma semaphore(%arg10 : memref<!tpu.dma_semaphore, #tpu.memory_space<semaphore_mem>>) src(%dma_wait3A_48 : memref<100000x128xf32, #tpu.memory_space<hbm>>) dst(%dma_wait3A_42 : memref<80x128xf32, #tpu.memory_space<vmem>>)
    %dma_wait3A_49 = arith.constant 1 : i32
    %dma_wait3A_50 = arith.constant 80 : i32
    %dma_wait3A_51 = arith.constant 0 : i32
    %dma_wait3A_52 = tpu.memref_slice %arg7[%dma_wait3A_50, %dma_wait3A_51] : memref<320x128xf32, #tpu.memory_space<vmem>> -> memref<80x128xf32, #tpu.memory_space<vmem>>
    %dma_wait3A_53 = arith.constant 0 : i32
    %dma_wait3A_54 = tpu.memref_slice %arg6[%dma_wait3A_49, %dma_wait3A_53] : memref<4x80xi32, #tpu.memory_space<vmem>> -> memref<1x80xi32, #tpu.memory_space<vmem>>
    %dma_wait3A_55 = tpu.memref_squeeze %dma_wait3A_54 : memref<1x80xi32, #tpu.memory_space<vmem>> -> memref<80xi32, #tpu.memory_space<vmem>>
    %dma_wait3A_56 = arith.constant 0 : i32
    %dma_wait3A_57 = arith.constant 0 : i32
    %dma_wait3A_58 = tpu.memref_slice %arg3[%dma_wait3A_56, %dma_wait3A_57] : memref<100000x128xf32, #tpu.memory_space<hbm>> -> memref<100000x128xf32, #tpu.memory_space<hbm>>
    tpu.wait_indirect_dma semaphore(%arg10 : memref<!tpu.dma_semaphore, #tpu.memory_space<semaphore_mem>>) src(%dma_wait3A_58 : memref<100000x128xf32, #tpu.memory_space<hbm>>) dst(%dma_wait3A_52 : memref<80x128xf32, #tpu.memory_space<vmem>>)
    %dma_wait3A_59 = arith.constant 2 : i32
    %dma_wait3A_60 = arith.constant 160 : i32
    %dma_wait3A_61 = arith.constant 0 : i32
    %dma_wait3A_62 = tpu.memref_slice %arg7[%dma_wait3A_60, %dma_wait3A_61] : memref<320x128xf32, #tpu.memory_space<vmem>> -> memref<80x128xf32, #tpu.memory_space<vmem>>
    %dma_wait3A_63 = arith.constant 0 : i32
    %dma_wait3A_64 = tpu.memref_slice %arg6[%dma_wait3A_59, %dma_wait3A_63] : memref<4x80xi32, #tpu.memory_space<vmem>> -> memref<1x80xi32, #tpu.memory_space<vmem>>
    %dma_wait3A_65 = tpu.memref_squeeze %dma_wait3A_64 : memref<1x80xi32, #tpu.memory_space<vmem>> -> memref<80xi32, #tpu.memory_space<vmem>>
    %dma_wait3A_66 = arith.constant 0 : i32
    %dma_wait3A_67 = arith.constant 0 : i32
    %dma_wait3A_68 = tpu.memref_slice %arg3[%dma_wait3A_66, %dma_wait3A_67] : memref<100000x128xf32, #tpu.memory_space<hbm>> -> memref<100000x128xf32, #tpu.memory_space<hbm>>
    tpu.wait_indirect_dma semaphore(%arg10 : memref<!tpu.dma_semaphore, #tpu.memory_space<semaphore_mem>>) src(%dma_wait3A_68 : memref<100000x128xf32, #tpu.memory_space<hbm>>) dst(%dma_wait3A_62 : memref<80x128xf32, #tpu.memory_space<vmem>>)
    %dma_wait3A_69 = arith.constant 3 : i32
    %dma_wait3A_70 = arith.constant 240 : i32
    %dma_wait3A_71 = arith.constant 0 : i32
    %dma_wait3A_72 = tpu.memref_slice %arg7[%dma_wait3A_70, %dma_wait3A_71] : memref<320x128xf32, #tpu.memory_space<vmem>> -> memref<80x128xf32, #tpu.memory_space<vmem>>
    %dma_wait3A_73 = arith.constant 0 : i32
    %dma_wait3A_74 = tpu.memref_slice %arg6[%dma_wait3A_69, %dma_wait3A_73] : memref<4x80xi32, #tpu.memory_space<vmem>> -> memref<1x80xi32, #tpu.memory_space<vmem>>
    %dma_wait3A_75 = tpu.memref_squeeze %dma_wait3A_74 : memref<1x80xi32, #tpu.memory_space<vmem>> -> memref<80xi32, #tpu.memory_space<vmem>>
    %dma_wait3A_76 = arith.constant 0 : i32
    %dma_wait3A_77 = arith.constant 0 : i32
    %dma_wait3A_78 = tpu.memref_slice %arg3[%dma_wait3A_76, %dma_wait3A_77] : memref<100000x128xf32, #tpu.memory_space<hbm>> -> memref<100000x128xf32, #tpu.memory_space<hbm>>
    tpu.wait_indirect_dma semaphore(%arg10 : memref<!tpu.dma_semaphore, #tpu.memory_space<semaphore_mem>>) src(%dma_wait3A_78 : memref<100000x128xf32, #tpu.memory_space<hbm>>) dst(%dma_wait3A_72 : memref<80x128xf32, #tpu.memory_space<vmem>>)
    %scan3A = arith.constant 0 : i32
    %scan3A_79 = arith.constant 0 : i32
    %scan3A_80 = arith.constant 32 : i32
    %scan3A_81 = arith.addi %scan3A_79, %scan3A_80 : i32
    %scan3A_82 = arith.constant 1 : i32
    scf.for %scan3A_86 = %scan3A_79 to %scan3A_81 step %scan3A_82  : i32 {
      %broadcast_in_dim3A = arith.constant 0.000000e+00 : f32
      %broadcast_in_dim3A_87 = vector.broadcast %broadcast_in_dim3A : f32 to vector<16xf32>
      %get3A = arith.constant 0 : i32
      %get3A_88 = arith.index_cast %get3A : i32 to index
      %get3A_89 = arith.constant 0 : index
      %get3A_90 = tpu.vector_load %arg9[%get3A_88, %get3A_89] {strides = array<i32>} : memref<10x16xf32, #tpu.memory_space<vmem>>, vector<1x16xf32>,
      %get3A_91 = vector.shape_cast %get3A_90 : vector<1x16xf32> to vector<16xf32>
      %mul3A_92 = arith.constant 10 : i32
      %mul3A_93 = arith.muli %scan3A_86, %mul3A_92 : i32
      %add3A_94 = arith.constant 0 : i32
      %add3A_95 = arith.addi %mul3A_93, %add3A_94 : i32
      %get3A_96 = arith.index_cast %add3A_95 : i32 to index
      %get3A_97 = arith.constant 0 : index
      %get3A_98 = tpu.vector_load %arg7[%get3A_96, %get3A_97] {strides = array<i32>} : memref<320x128xf32, #tpu.memory_space<vmem>>, vector<1x16xf32>,
      %get3A_99 = vector.shape_cast %get3A_98 : vector<1x16xf32> to vector<16xf32>
      %mul3A_100 = arith.mulf %get3A_91, %get3A_99 : vector<16xf32>
      %add3A_101 = arith.addf %broadcast_in_dim3A_87, %mul3A_100 : vector<16xf32>
      %get3A_102 = arith.constant 1 : i32
      %get3A_103 = arith.index_cast %get3A_102 : i32 to index
      %get3A_104 = arith.constant 0 : index
      %get3A_105 = tpu.vector_load %arg9[%get3A_103, %get3A_104] {strides = array<i32>} : memref<10x16xf32, #tpu.memory_space<vmem>>, vector<1x16xf32>,
      %get3A_106 = vector.shape_cast %get3A_105 : vector<1x16xf32> to vector<16xf32>
      %mul3A_107 = arith.constant 10 : i32
      %mul3A_108 = arith.muli %scan3A_86, %mul3A_107 : i32
      %add3A_109 = arith.constant 1 : i32
      %add3A_110 = arith.addi %mul3A_108, %add3A_109 : i32
      %get3A_111 = arith.index_cast %add3A_110 : i32 to index
      %get3A_112 = arith.constant 0 : index
      %get3A_113 = tpu.vector_load %arg7[%get3A_111, %get3A_112] {strides = array<i32>} : memref<320x128xf32, #tpu.memory_space<vmem>>, vector<1x16xf32>,
      %get3A_114 = vector.shape_cast %get3A_113 : vector<1x16xf32> to vector<16xf32>
      %mul3A_115 = arith.mulf %get3A_106, %get3A_114 : vector<16xf32>
      %add3A_116 = arith.addf %add3A_101, %mul3A_115 : vector<16xf32>
      %get3A_117 = arith.constant 2 : i32
      %get3A_118 = arith.index_cast %get3A_117 : i32 to index
      %get3A_119 = arith.constant 0 : index
      %get3A_120 = tpu.vector_load %arg9[%get3A_118, %get3A_119] {strides = array<i32>} : memref<10x16xf32, #tpu.memory_space<vmem>>, vector<1x16xf32>,
      %get3A_121 = vector.shape_cast %get3A_120 : vector<1x16xf32> to vector<16xf32>
      %mul3A_122 = arith.constant 10 : i32
      %mul3A_123 = arith.muli %scan3A_86, %mul3A_122 : i32
      %add3A_124 = arith.constant 2 : i32
      %add3A_125 = arith.addi %mul3A_123, %add3A_124 : i32
      %get3A_126 = arith.index_cast %add3A_125 : i32 to index
      %get3A_127 = arith.constant 0 : index
      %get3A_128 = tpu.vector_load %arg7[%get3A_126, %get3A_127] {strides = array<i32>} : memref<320x128xf32, #tpu.memory_space<vmem>>, vector<1x16xf32>,
      %get3A_129 = vector.shape_cast %get3A_128 : vector<1x16xf32> to vector<16xf32>
      %mul3A_130 = arith.mulf %get3A_121, %get3A_129 : vector<16xf32>
      %add3A_131 = arith.addf %add3A_116, %mul3A_130 : vector<16xf32>
      %get3A_132 = arith.constant 3 : i32
      %get3A_133 = arith.index_cast %get3A_132 : i32 to index
      %get3A_134 = arith.constant 0 : index
      %get3A_135 = tpu.vector_load %arg9[%get3A_133, %get3A_134] {strides = array<i32>} : memref<10x16xf32, #tpu.memory_space<vmem>>, vector<1x16xf32>,
      %get3A_136 = vector.shape_cast %get3A_135 : vector<1x16xf32> to vector<16xf32>
      %mul3A_137 = arith.constant 10 : i32
      %mul3A_138 = arith.muli %scan3A_86, %mul3A_137 : i32
      %add3A_139 = arith.constant 3 : i32
      %add3A_140 = arith.addi %mul3A_138, %add3A_139 : i32
      %get3A_141 = arith.index_cast %add3A_140 : i32 to index
      %get3A_142 = arith.constant 0 : index
      %get3A_143 = tpu.vector_load %arg7[%get3A_141, %get3A_142] {strides = array<i32>} : memref<320x128xf32, #tpu.memory_space<vmem>>, vector<1x16xf32>,
      %get3A_144 = vector.shape_cast %get3A_143 : vector<1x16xf32> to vector<16xf32>
      %mul3A_145 = arith.mulf %get3A_136, %get3A_144 : vector<16xf32>
      %add3A_146 = arith.addf %add3A_131, %mul3A_145 : vector<16xf32>
      %get3A_147 = arith.constant 4 : i32
      %get3A_148 = arith.index_cast %get3A_147 : i32 to index
      %get3A_149 = arith.constant 0 : index
      %get3A_150 = tpu.vector_load %arg9[%get3A_148, %get3A_149] {strides = array<i32>} : memref<10x16xf32, #tpu.memory_space<vmem>>, vector<1x16xf32>,
      %get3A_151 = vector.shape_cast %get3A_150 : vector<1x16xf32> to vector<16xf32>
      %mul3A_152 = arith.constant 10 : i32
      %mul3A_153 = arith.muli %scan3A_86, %mul3A_152 : i32
      %add3A_154 = arith.constant 4 : i32
      %add3A_155 = arith.addi %mul3A_153, %add3A_154 : i32
      %get3A_156 = arith.index_cast %add3A_155 : i32 to index
      %get3A_157 = arith.constant 0 : index
      %get3A_158 = tpu.vector_load %arg7[%get3A_156, %get3A_157] {strides = array<i32>} : memref<320x128xf32, #tpu.memory_space<vmem>>, vector<1x16xf32>,
      %get3A_159 = vector.shape_cast %get3A_158 : vector<1x16xf32> to vector<16xf32>
      %mul3A_160 = arith.mulf %get3A_151, %get3A_159 : vector<16xf32>
      %add3A_161 = arith.addf %add3A_146, %mul3A_160 : vector<16xf32>
      %get3A_162 = arith.constant 5 : i32
      %get3A_163 = arith.index_cast %get3A_162 : i32 to index
      %get3A_164 = arith.constant 0 : index
      %get3A_165 = tpu.vector_load %arg9[%get3A_163, %get3A_164] {strides = array<i32>} : memref<10x16xf32, #tpu.memory_space<vmem>>, vector<1x16xf32>,
      %get3A_166 = vector.shape_cast %get3A_165 : vector<1x16xf32> to vector<16xf32>
      %mul3A_167 = arith.constant 10 : i32
      %mul3A_168 = arith.muli %scan3A_86, %mul3A_167 : i32
      %add3A_169 = arith.constant 5 : i32
      %add3A_170 = arith.addi %mul3A_168, %add3A_169 : i32
      %get3A_171 = arith.index_cast %add3A_170 : i32 to index
      %get3A_172 = arith.constant 0 : index
      %get3A_173 = tpu.vector_load %arg7[%get3A_171, %get3A_172] {strides = array<i32>} : memref<320x128xf32, #tpu.memory_space<vmem>>, vector<1x16xf32>,
      %get3A_174 = vector.shape_cast %get3A_173 : vector<1x16xf32> to vector<16xf32>
      %mul3A_175 = arith.mulf %get3A_166, %get3A_174 : vector<16xf32>
      %add3A_176 = arith.addf %add3A_161, %mul3A_175 : vector<16xf32>
      %get3A_177 = arith.constant 6 : i32
      %get3A_178 = arith.index_cast %get3A_177 : i32 to index
      %get3A_179 = arith.constant 0 : index
      %get3A_180 = tpu.vector_load %arg9[%get3A_178, %get3A_179] {strides = array<i32>} : memref<10x16xf32, #tpu.memory_space<vmem>>, vector<1x16xf32>,
      %get3A_181 = vector.shape_cast %get3A_180 : vector<1x16xf32> to vector<16xf32>
      %mul3A_182 = arith.constant 10 : i32
      %mul3A_183 = arith.muli %scan3A_86, %mul3A_182 : i32
      %add3A_184 = arith.constant 6 : i32
      %add3A_185 = arith.addi %mul3A_183, %add3A_184 : i32
      %get3A_186 = arith.index_cast %add3A_185 : i32 to index
      %get3A_187 = arith.constant 0 : index
      %get3A_188 = tpu.vector_load %arg7[%get3A_186, %get3A_187] {strides = array<i32>} : memref<320x128xf32, #tpu.memory_space<vmem>>, vector<1x16xf32>,
      %get3A_189 = vector.shape_cast %get3A_188 : vector<1x16xf32> to vector<16xf32>
      %mul3A_190 = arith.mulf %get3A_181, %get3A_189 : vector<16xf32>
      %add3A_191 = arith.addf %add3A_176, %mul3A_190 : vector<16xf32>
      %get3A_192 = arith.constant 7 : i32
      %get3A_193 = arith.index_cast %get3A_192 : i32 to index
      %get3A_194 = arith.constant 0 : index
      %get3A_195 = tpu.vector_load %arg9[%get3A_193, %get3A_194] {strides = array<i32>} : memref<10x16xf32, #tpu.memory_space<vmem>>, vector<1x16xf32>,
      %get3A_196 = vector.shape_cast %get3A_195 : vector<1x16xf32> to vector<16xf32>
      %mul3A_197 = arith.constant 10 : i32
      %mul3A_198 = arith.muli %scan3A_86, %mul3A_197 : i32
      %add3A_199 = arith.constant 7 : i32
      %add3A_200 = arith.addi %mul3A_198, %add3A_199 : i32
      %get3A_201 = arith.index_cast %add3A_200 : i32 to index
      %get3A_202 = arith.constant 0 : index
      %get3A_203 = tpu.vector_load %arg7[%get3A_201, %get3A_202] {strides = array<i32>} : memref<320x128xf32, #tpu.memory_space<vmem>>, vector<1x16xf32>,
      %get3A_204 = vector.shape_cast %get3A_203 : vector<1x16xf32> to vector<16xf32>
      %mul3A_205 = arith.mulf %get3A_196, %get3A_204 : vector<16xf32>
      %add3A_206 = arith.addf %add3A_191, %mul3A_205 : vector<16xf32>
      %get3A_207 = arith.constant 8 : i32
      %get3A_208 = arith.index_cast %get3A_207 : i32 to index
      %get3A_209 = arith.constant 0 : index
      %get3A_210 = tpu.vector_load %arg9[%get3A_208, %get3A_209] {strides = array<i32>} : memref<10x16xf32, #tpu.memory_space<vmem>>, vector<1x16xf32>,
      %get3A_211 = vector.shape_cast %get3A_210 : vector<1x16xf32> to vector<16xf32>
      %mul3A_212 = arith.constant 10 : i32
      %mul3A_213 = arith.muli %scan3A_86, %mul3A_212 : i32
      %add3A_214 = arith.constant 8 : i32
      %add3A_215 = arith.addi %mul3A_213, %add3A_214 : i32
      %get3A_216 = arith.index_cast %add3A_215 : i32 to index
      %get3A_217 = arith.constant 0 : index
      %get3A_218 = tpu.vector_load %arg7[%get3A_216, %get3A_217] {strides = array<i32>} : memref<320x128xf32, #tpu.memory_space<vmem>>, vector<1x16xf32>,
      %get3A_219 = vector.shape_cast %get3A_218 : vector<1x16xf32> to vector<16xf32>
      %mul3A_220 = arith.mulf %get3A_211, %get3A_219 : vector<16xf32>
      %add3A_221 = arith.addf %add3A_206, %mul3A_220 : vector<16xf32>
      %get3A_222 = arith.constant 9 : i32
      %get3A_223 = arith.index_cast %get3A_222 : i32 to index
      %get3A_224 = arith.constant 0 : index
      %get3A_225 = tpu.vector_load %arg9[%get3A_223, %get3A_224] {strides = array<i32>} : memref<10x16xf32, #tpu.memory_space<vmem>>, vector<1x16xf32>,
      %get3A_226 = vector.shape_cast %get3A_225 : vector<1x16xf32> to vector<16xf32>
      %mul3A_227 = arith.constant 10 : i32
      %mul3A_228 = arith.muli %scan3A_86, %mul3A_227 : i32
      %add3A_229 = arith.constant 9 : i32
      %add3A_230 = arith.addi %mul3A_228, %add3A_229 : i32
      %get3A_231 = arith.index_cast %add3A_230 : i32 to index
      %get3A_232 = arith.constant 0 : index
      %get3A_233 = tpu.vector_load %arg7[%get3A_231, %get3A_232] {strides = array<i32>} : memref<320x128xf32, #tpu.memory_space<vmem>>, vector<1x16xf32>,
      %get3A_234 = vector.shape_cast %get3A_233 : vector<1x16xf32> to vector<16xf32>
      %mul3A_235 = arith.mulf %get3A_226, %get3A_234 : vector<16xf32>
      %add3A_236 = arith.addf %add3A_221, %mul3A_235 : vector<16xf32>
      %swap3A = arith.index_cast %scan3A_86 : i32 to index
      %swap3A_237 = arith.constant 0 : index
      %swap3A_238 = tpu.vector_load %arg8[%swap3A, %swap3A_237] {strides = array<i32>} : memref<32x128xf32, #tpu.memory_space<vmem>>, vector<1x16xf32>,
      %swap3A_239 = vector.shape_cast %swap3A_238 : vector<1x16xf32> to vector<16xf32>
      %swap3A_240 = vector.shape_cast %add3A_236 : vector<16xf32> to vector<1x16xf32>
      tpu.vector_store %arg8[%swap3A, %swap3A_237], %swap3A_240 {strides = array<i32>} : memref<32x128xf32, #tpu.memory_space<vmem>>, vector<1x16xf32>,
      %broadcast_in_dim3A_241 = arith.constant 0.000000e+00 : f32
      %broadcast_in_dim3A_242 = vector.broadcast %broadcast_in_dim3A_241 : f32 to vector<16xf32>
      %get3A_243 = arith.constant 0 : i32
      %get3A_244 = arith.index_cast %get3A_243 : i32 to index
      %get3A_245 = arith.constant 0 : index
      %get3A_246 = tpu.vector_load %arg9[%get3A_244, %get3A_245] {strides = array<i32>} : memref<10x16xf32, #tpu.memory_space<vmem>>, vector<1x16xf32>,
      %get3A_247 = vector.shape_cast %get3A_246 : vector<1x16xf32> to vector<16xf32>
      %mul3A_248 = arith.constant 10 : i32
      %mul3A_249 = arith.muli %scan3A_86, %mul3A_248 : i32
      %add3A_250 = arith.constant 0 : i32
      %add3A_251 = arith.addi %mul3A_249, %add3A_250 : i32
      %get3A_252 = arith.index_cast %add3A_251 : i32 to index
      %get3A_253 = arith.constant 16 : index
      %get3A_254 = tpu.vector_load %arg7[%get3A_252, %get3A_253] {strides = array<i32>} : memref<320x128xf32, #tpu.memory_space<vmem>>, vector<1x16xf32>,
      %get3A_255 = vector.shape_cast %get3A_254 : vector<1x16xf32> to vector<16xf32>
      %mul3A_256 = arith.mulf %get3A_247, %get3A_255 : vector<16xf32>
      %add3A_257 = arith.addf %broadcast_in_dim3A_242, %mul3A_256 : vector<16xf32>
      %get3A_258 = arith.constant 1 : i32
      %get3A_259 = arith.index_cast %get3A_258 : i32 to index
      %get3A_260 = arith.constant 0 : index
      %get3A_261 = tpu.vector_load %arg9[%get3A_259, %get3A_260] {strides = array<i32>} : memref<10x16xf32, #tpu.memory_space<vmem>>, vector<1x16xf32>,
      %get3A_262 = vector.shape_cast %get3A_261 : vector<1x16xf32> to vector<16xf32>
      %mul3A_263 = arith.constant 10 : i32
      %mul3A_264 = arith.muli %scan3A_86, %mul3A_263 : i32
      %add3A_265 = arith.constant 1 : i32
      %add3A_266 = arith.addi %mul3A_264, %add3A_265 : i32
      %get3A_267 = arith.index_cast %add3A_266 : i32 to index
      %get3A_268 = arith.constant 16 : index
      %get3A_269 = tpu.vector_load %arg7[%get3A_267, %get3A_268] {strides = array<i32>} : memref<320x128xf32, #tpu.memory_space<vmem>>, vector<1x16xf32>,
      %get3A_270 = vector.shape_cast %get3A_269 : vector<1x16xf32> to vector<16xf32>
      %mul3A_271 = arith.mulf %get3A_262, %get3A_270 : vector<16xf32>
      %add3A_272 = arith.addf %add3A_257, %mul3A_271 : vector<16xf32>
      %get3A_273 = arith.constant 2 : i32
      %get3A_274 = arith.index_cast %get3A_273 : i32 to index
      %get3A_275 = arith.constant 0 : index
      %get3A_276 = tpu.vector_load %arg9[%get3A_274, %get3A_275] {strides = array<i32>} : memref<10x16xf32, #tpu.memory_space<vmem>>, vector<1x16xf32>,
      %get3A_277 = vector.shape_cast %get3A_276 : vector<1x16xf32> to vector<16xf32>
      %mul3A_278 = arith.constant 10 : i32
      %mul3A_279 = arith.muli %scan3A_86, %mul3A_278 : i32
      %add3A_280 = arith.constant 2 : i32
      %add3A_281 = arith.addi %mul3A_279, %add3A_280 : i32
      %get3A_282 = arith.index_cast %add3A_281 : i32 to index
      %get3A_283 = arith.constant 16 : index
      %get3A_284 = tpu.vector_load %arg7[%get3A_282, %get3A_283] {strides = array<i32>} : memref<320x128xf32, #tpu.memory_space<vmem>>, vector<1x16xf32>,
      %get3A_285 = vector.shape_cast %get3A_284 : vector<1x16xf32> to vector<16xf32>
      %mul3A_286 = arith.mulf %get3A_277, %get3A_285 : vector<16xf32>
      %add3A_287 = arith.addf %add3A_272, %mul3A_286 : vector<16xf32>
      %get3A_288 = arith.constant 3 : i32
      %get3A_289 = arith.index_cast %get3A_288 : i32 to index
      %get3A_290 = arith.constant 0 : index
      %get3A_291 = tpu.vector_load %arg9[%get3A_289, %get3A_290] {strides = array<i32>} : memref<10x16xf32, #tpu.memory_space<vmem>>, vector<1x16xf32>,
      %get3A_292 = vector.shape_cast %get3A_291 : vector<1x16xf32> to vector<16xf32>
      %mul3A_293 = arith.constant 10 : i32
      %mul3A_294 = arith.muli %scan3A_86, %mul3A_293 : i32
      %add3A_295 = arith.constant 3 : i32
      %add3A_296 = arith.addi %mul3A_294, %add3A_295 : i32
      %get3A_297 = arith.index_cast %add3A_296 : i32 to index
      %get3A_298 = arith.constant 16 : index
      %get3A_299 = tpu.vector_load %arg7[%get3A_297, %get3A_298] {strides = array<i32>} : memref<320x128xf32, #tpu.memory_space<vmem>>, vector<1x16xf32>,
      %get3A_300 = vector.shape_cast %get3A_299 : vector<1x16xf32> to vector<16xf32>
      %mul3A_301 = arith.mulf %get3A_292, %get3A_300 : vector<16xf32>
      %add3A_302 = arith.addf %add3A_287, %mul3A_301 : vector<16xf32>
      %get3A_303 = arith.constant 4 : i32
      %get3A_304 = arith.index_cast %get3A_303 : i32 to index
      %get3A_305 = arith.constant 0 : index
      %get3A_306 = tpu.vector_load %arg9[%get3A_304, %get3A_305] {strides = array<i32>} : memref<10x16xf32, #tpu.memory_space<vmem>>, vector<1x16xf32>,
      %get3A_307 = vector.shape_cast %get3A_306 : vector<1x16xf32> to vector<16xf32>
      %mul3A_308 = arith.constant 10 : i32
      %mul3A_309 = arith.muli %scan3A_86, %mul3A_308 : i32
      %add3A_310 = arith.constant 4 : i32
      %add3A_311 = arith.addi %mul3A_309, %add3A_310 : i32
      %get3A_312 = arith.index_cast %add3A_311 : i32 to index
      %get3A_313 = arith.constant 16 : index
      %get3A_314 = tpu.vector_load %arg7[%get3A_312, %get3A_313] {strides = array<i32>} : memref<320x128xf32, #tpu.memory_space<vmem>>, vector<1x16xf32>,
      %get3A_315 = vector.shape_cast %get3A_314 : vector<1x16xf32> to vector<16xf32>
      %mul3A_316 = arith.mulf %get3A_307, %get3A_315 : vector<16xf32>
      %add3A_317 = arith.addf %add3A_302, %mul3A_316 : vector<16xf32>
      %get3A_318 = arith.constant 5 : i32
      %get3A_319 = arith.index_cast %get3A_318 : i32 to index
      %get3A_320 = arith.constant 0 : index
      %get3A_321 = tpu.vector_load %arg9[%get3A_319, %get3A_320] {strides = array<i32>} : memref<10x16xf32, #tpu.memory_space<vmem>>, vector<1x16xf32>,
      %get3A_322 = vector.shape_cast %get3A_321 : vector<1x16xf32> to vector<16xf32>
      %mul3A_323 = arith.constant 10 : i32
      %mul3A_324 = arith.muli %scan3A_86, %mul3A_323 : i32
      %add3A_325 = arith.constant 5 : i32
      %add3A_326 = arith.addi %mul3A_324, %add3A_325 : i32
      %get3A_327 = arith.index_cast %add3A_326 : i32 to index
      %get3A_328 = arith.constant 16 : index
      %get3A_329 = tpu.vector_load %arg7[%get3A_327, %get3A_328] {strides = array<i32>} : memref<320x128xf32, #tpu.memory_space<vmem>>, vector<1x16xf32>,
      %get3A_330 = vector.shape_cast %get3A_329 : vector<1x16xf32> to vector<16xf32>
      %mul3A_331 = arith.mulf %get3A_322, %get3A_330 : vector<16xf32>
      %add3A_332 = arith.addf %add3A_317, %mul3A_331 : vector<16xf32>
      %get3A_333 = arith.constant 6 : i32
      %get3A_334 = arith.index_cast %get3A_333 : i32 to index
      %get3A_335 = arith.constant 0 : index
      %get3A_336 = tpu.vector_load %arg9[%get3A_334, %get3A_335] {strides = array<i32>} : memref<10x16xf32, #tpu.memory_space<vmem>>, vector<1x16xf32>,
      %get3A_337 = vector.shape_cast %get3A_336 : vector<1x16xf32> to vector<16xf32>
      %mul3A_338 = arith.constant 10 : i32
      %mul3A_339 = arith.muli %scan3A_86, %mul3A_338 : i32
      %add3A_340 = arith.constant 6 : i32
      %add3A_341 = arith.addi %mul3A_339, %add3A_340 : i32
      %get3A_342 = arith.index_cast %add3A_341 : i32 to index
      %get3A_343 = arith.constant 16 : index
      %get3A_344 = tpu.vector_load %arg7[%get3A_342, %get3A_343] {strides = array<i32>} : memref<320x128xf32, #tpu.memory_space<vmem>>, vector<1x16xf32>,
      %get3A_345 = vector.shape_cast %get3A_344 : vector<1x16xf32> to vector<16xf32>
      %mul3A_346 = arith.mulf %get3A_337, %get3A_345 : vector<16xf32>
      %add3A_347 = arith.addf %add3A_332, %mul3A_346 : vector<16xf32>
      %get3A_348 = arith.constant 7 : i32
      %get3A_349 = arith.index_cast %get3A_348 : i32 to index
      %get3A_350 = arith.constant 0 : index
      %get3A_351 = tpu.vector_load %arg9[%get3A_349, %get3A_350] {strides = array<i32>} : memref<10x16xf32, #tpu.memory_space<vmem>>, vector<1x16xf32>,
      %get3A_352 = vector.shape_cast %get3A_351 : vector<1x16xf32> to vector<16xf32>
      %mul3A_353 = arith.constant 10 : i32
      %mul3A_354 = arith.muli %scan3A_86, %mul3A_353 : i32
      %add3A_355 = arith.constant 7 : i32
      %add3A_356 = arith.addi %mul3A_354, %add3A_355 : i32
      %get3A_357 = arith.index_cast %add3A_356 : i32 to index
      %get3A_358 = arith.constant 16 : index
      %get3A_359 = tpu.vector_load %arg7[%get3A_357, %get3A_358] {strides = array<i32>} : memref<320x128xf32, #tpu.memory_space<vmem>>, vector<1x16xf32>,
      %get3A_360 = vector.shape_cast %get3A_359 : vector<1x16xf32> to vector<16xf32>
      %mul3A_361 = arith.mulf %get3A_352, %get3A_360 : vector<16xf32>
      %add3A_362 = arith.addf %add3A_347, %mul3A_361 : vector<16xf32>
      %get3A_363 = arith.constant 8 : i32
      %get3A_364 = arith.index_cast %get3A_363 : i32 to index
      %get3A_365 = arith.constant 0 : index
      %get3A_366 = tpu.vector_load %arg9[%get3A_364, %get3A_365] {strides = array<i32>} : memref<10x16xf32, #tpu.memory_space<vmem>>, vector<1x16xf32>,
      %get3A_367 = vector.shape_cast %get3A_366 : vector<1x16xf32> to vector<16xf32>
      %mul3A_368 = arith.constant 10 : i32
      %mul3A_369 = arith.muli %scan3A_86, %mul3A_368 : i32
      %add3A_370 = arith.constant 8 : i32
      %add3A_371 = arith.addi %mul3A_369, %add3A_370 : i32
      %get3A_372 = arith.index_cast %add3A_371 : i32 to index
      %get3A_373 = arith.constant 16 : index
      %get3A_374 = tpu.vector_load %arg7[%get3A_372, %get3A_373] {strides = array<i32>} : memref<320x128xf32, #tpu.memory_space<vmem>>, vector<1x16xf32>,
      %get3A_375 = vector.shape_cast %get3A_374 : vector<1x16xf32> to vector<16xf32>
      %mul3A_376 = arith.mulf %get3A_367, %get3A_375 : vector<16xf32>
      %add3A_377 = arith.addf %add3A_362, %mul3A_376 : vector<16xf32>
      %get3A_378 = arith.constant 9 : i32
      %get3A_379 = arith.index_cast %get3A_378 : i32 to index
      %get3A_380 = arith.constant 0 : index
      %get3A_381 = tpu.vector_load %arg9[%get3A_379, %get3A_380] {strides = array<i32>} : memref<10x16xf32, #tpu.memory_space<vmem>>, vector<1x16xf32>,
      %get3A_382 = vector.shape_cast %get3A_381 : vector<1x16xf32> to vector<16xf32>
      %mul3A_383 = arith.constant 10 : i32
      %mul3A_384 = arith.muli %scan3A_86, %mul3A_383 : i32
      %add3A_385 = arith.constant 9 : i32
      %add3A_386 = arith.addi %mul3A_384, %add3A_385 : i32
      %get3A_387 = arith.index_cast %add3A_386 : i32 to index
      %get3A_388 = arith.constant 16 : index
      %get3A_389 = tpu.vector_load %arg7[%get3A_387, %get3A_388] {strides = array<i32>} : memref<320x128xf32, #tpu.memory_space<vmem>>, vector<1x16xf32>,
      %get3A_390 = vector.shape_cast %get3A_389 : vector<1x16xf32> to vector<16xf32>
      %mul3A_391 = arith.mulf %get3A_382, %get3A_390 : vector<16xf32>
      %add3A_392 = arith.addf %add3A_377, %mul3A_391 : vector<16xf32>
      %swap3A_393 = arith.index_cast %scan3A_86 : i32 to index
      %swap3A_394 = arith.constant 16 : index
      %swap3A_395 = tpu.vector_load %arg8[%swap3A_393, %swap3A_394] {strides = array<i32>} : memref<32x128xf32, #tpu.memory_space<vmem>>, vector<1x16xf32>,
      %swap3A_396 = vector.shape_cast %swap3A_395 : vector<1x16xf32> to vector<16xf32>
      %swap3A_397 = vector.shape_cast %add3A_392 : vector<16xf32> to vector<1x16xf32>
      tpu.vector_store %arg8[%swap3A_393, %swap3A_394], %swap3A_397 {strides = array<i32>} : memref<32x128xf32, #tpu.memory_space<vmem>>, vector<1x16xf32>,
      %broadcast_in_dim3A_398 = arith.constant 0.000000e+00 : f32
      %broadcast_in_dim3A_399 = vector.broadcast %broadcast_in_dim3A_398 : f32 to vector<16xf32>
      %get3A_400 = arith.constant 0 : i32
      %get3A_401 = arith.index_cast %get3A_400 : i32 to index
      %get3A_402 = arith.constant 0 : index
      %get3A_403 = tpu.vector_load %arg9[%get3A_401, %get3A_402] {strides = array<i32>} : memref<10x16xf32, #tpu.memory_space<vmem>>, vector<1x16xf32>,
      %get3A_404 = vector.shape_cast %get3A_403 : vector<1x16xf32> to vector<16xf32>
      %mul3A_405 = arith.constant 10 : i32
      %mul3A_406 = arith.muli %scan3A_86, %mul3A_405 : i32
      %add3A_407 = arith.constant 0 : i32
      %add3A_408 = arith.addi %mul3A_406, %add3A_407 : i32
      %get3A_409 = arith.index_cast %add3A_408 : i32 to index
      %get3A_410 = arith.constant 32 : index
      %get3A_411 = tpu.vector_load %arg7[%get3A_409, %get3A_410] {strides = array<i32>} : memref<320x128xf32, #tpu.memory_space<vmem>>, vector<1x16xf32>,
      %get3A_412 = vector.shape_cast %get3A_411 : vector<1x16xf32> to vector<16xf32>
      %mul3A_413 = arith.mulf %get3A_404, %get3A_412 : vector<16xf32>
      %add3A_414 = arith.addf %broadcast_in_dim3A_399, %mul3A_413 : vector<16xf32>
      %get3A_415 = arith.constant 1 : i32
      %get3A_416 = arith.index_cast %get3A_415 : i32 to index
      %get3A_417 = arith.constant 0 : index
      %get3A_418 = tpu.vector_load %arg9[%get3A_416, %get3A_417] {strides = array<i32>} : memref<10x16xf32, #tpu.memory_space<vmem>>, vector<1x16xf32>,
      %get3A_419 = vector.shape_cast %get3A_418 : vector<1x16xf32> to vector<16xf32>
      %mul3A_420 = arith.constant 10 : i32
      %mul3A_421 = arith.muli %scan3A_86, %mul3A_420 : i32
      %add3A_422 = arith.constant 1 : i32
      %add3A_423 = arith.addi %mul3A_421, %add3A_422 : i32
      %get3A_424 = arith.index_cast %add3A_423 : i32 to index
      %get3A_425 = arith.constant 32 : index
      %get3A_426 = tpu.vector_load %arg7[%get3A_424, %get3A_425] {strides = array<i32>} : memref<320x128xf32, #tpu.memory_space<vmem>>, vector<1x16xf32>,
      %get3A_427 = vector.shape_cast %get3A_426 : vector<1x16xf32> to vector<16xf32>
      %mul3A_428 = arith.mulf %get3A_419, %get3A_427 : vector<16xf32>
      %add3A_429 = arith.addf %add3A_414, %mul3A_428 : vector<16xf32>
      %get3A_430 = arith.constant 2 : i32
      %get3A_431 = arith.index_cast %get3A_430 : i32 to index
      %get3A_432 = arith.constant 0 : index
      %get3A_433 = tpu.vector_load %arg9[%get3A_431, %get3A_432] {strides = array<i32>} : memref<10x16xf32, #tpu.memory_space<vmem>>, vector<1x16xf32>,
      %get3A_434 = vector.shape_cast %get3A_433 : vector<1x16xf32> to vector<16xf32>
      %mul3A_435 = arith.constant 10 : i32
      %mul3A_436 = arith.muli %scan3A_86, %mul3A_435 : i32
      %add3A_437 = arith.constant 2 : i32
      %add3A_438 = arith.addi %mul3A_436, %add3A_437 : i32
      %get3A_439 = arith.index_cast %add3A_438 : i32 to index
      %get3A_440 = arith.constant 32 : index
      %get3A_441 = tpu.vector_load %arg7[%get3A_439, %get3A_440] {strides = array<i32>} : memref<320x128xf32, #tpu.memory_space<vmem>>, vector<1x16xf32>,
      %get3A_442 = vector.shape_cast %get3A_441 : vector<1x16xf32> to vector<16xf32>
      %mul3A_443 = arith.mulf %get3A_434, %get3A_442 : vector<16xf32>
      %add3A_444 = arith.addf %add3A_429, %mul3A_443 : vector<16xf32>
      %get3A_445 = arith.constant 3 : i32
      %get3A_446 = arith.index_cast %get3A_445 : i32 to index
      %get3A_447 = arith.constant 0 : index
      %get3A_448 = tpu.vector_load %arg9[%get3A_446, %get3A_447] {strides = array<i32>} : memref<10x16xf32, #tpu.memory_space<vmem>>, vector<1x16xf32>,
      %get3A_449 = vector.shape_cast %get3A_448 : vector<1x16xf32> to vector<16xf32>
      %mul3A_450 = arith.constant 10 : i32
      %mul3A_451 = arith.muli %scan3A_86, %mul3A_450 : i32
      %add3A_452 = arith.constant 3 : i32
      %add3A_453 = arith.addi %mul3A_451, %add3A_452 : i32
      %get3A_454 = arith.index_cast %add3A_453 : i32 to index
      %get3A_455 = arith.constant 32 : index
      %get3A_456 = tpu.vector_load %arg7[%get3A_454, %get3A_455] {strides = array<i32>} : memref<320x128xf32, #tpu.memory_space<vmem>>, vector<1x16xf32>,
      %get3A_457 = vector.shape_cast %get3A_456 : vector<1x16xf32> to vector<16xf32>
      %mul3A_458 = arith.mulf %get3A_449, %get3A_457 : vector<16xf32>
      %add3A_459 = arith.addf %add3A_444, %mul3A_458 : vector<16xf32>
      %get3A_460 = arith.constant 4 : i32
      %get3A_461 = arith.index_cast %get3A_460 : i32 to index
      %get3A_462 = arith.constant 0 : index
      %get3A_463 = tpu.vector_load %arg9[%get3A_461, %get3A_462] {strides = array<i32>} : memref<10x16xf32, #tpu.memory_space<vmem>>, vector<1x16xf32>,
      %get3A_464 = vector.shape_cast %get3A_463 : vector<1x16xf32> to vector<16xf32>
      %mul3A_465 = arith.constant 10 : i32
      %mul3A_466 = arith.muli %scan3A_86, %mul3A_465 : i32
      %add3A_467 = arith.constant 4 : i32
      %add3A_468 = arith.addi %mul3A_466, %add3A_467 : i32
      %get3A_469 = arith.index_cast %add3A_468 : i32 to index
      %get3A_470 = arith.constant 32 : index
      %get3A_471 = tpu.vector_load %arg7[%get3A_469, %get3A_470] {strides = array<i32>} : memref<320x128xf32, #tpu.memory_space<vmem>>, vector<1x16xf32>,
      %get3A_472 = vector.shape_cast %get3A_471 : vector<1x16xf32> to vector<16xf32>
      %mul3A_473 = arith.mulf %get3A_464, %get3A_472 : vector<16xf32>
      %add3A_474 = arith.addf %add3A_459, %mul3A_473 : vector<16xf32>
      %get3A_475 = arith.constant 5 : i32
      %get3A_476 = arith.index_cast %get3A_475 : i32 to index
      %get3A_477 = arith.constant 0 : index
      %get3A_478 = tpu.vector_load %arg9[%get3A_476, %get3A_477] {strides = array<i32>} : memref<10x16xf32, #tpu.memory_space<vmem>>, vector<1x16xf32>,
      %get3A_479 = vector.shape_cast %get3A_478 : vector<1x16xf32> to vector<16xf32>
      %mul3A_480 = arith.constant 10 : i32
      %mul3A_481 = arith.muli %scan3A_86, %mul3A_480 : i32
      %add3A_482 = arith.constant 5 : i32
      %add3A_483 = arith.addi %mul3A_481, %add3A_482 : i32
      %get3A_484 = arith.index_cast %add3A_483 : i32 to index
      %get3A_485 = arith.constant 32 : index
      %get3A_486 = tpu.vector_load %arg7[%get3A_484, %get3A_485] {strides = array<i32>} : memref<320x128xf32, #tpu.memory_space<vmem>>, vector<1x16xf32>,
      %get3A_487 = vector.shape_cast %get3A_486 : vector<1x16xf32> to vector<16xf32>
      %mul3A_488 = arith.mulf %get3A_479, %get3A_487 : vector<16xf32>
      %add3A_489 = arith.addf %add3A_474, %mul3A_488 : vector<16xf32>
      %get3A_490 = arith.constant 6 : i32
      %get3A_491 = arith.index_cast %get3A_490 : i32 to index
      %get3A_492 = arith.constant 0 : index
      %get3A_493 = tpu.vector_load %arg9[%get3A_491, %get3A_492] {strides = array<i32>} : memref<10x16xf32, #tpu.memory_space<vmem>>, vector<1x16xf32>,
      %get3A_494 = vector.shape_cast %get3A_493 : vector<1x16xf32> to vector<16xf32>
      %mul3A_495 = arith.constant 10 : i32
      %mul3A_496 = arith.muli %scan3A_86, %mul3A_495 : i32
      %add3A_497 = arith.constant 6 : i32
      %add3A_498 = arith.addi %mul3A_496, %add3A_497 : i32
      %get3A_499 = arith.index_cast %add3A_498 : i32 to index
      %get3A_500 = arith.constant 32 : index
      %get3A_501 = tpu.vector_load %arg7[%get3A_499, %get3A_500] {strides = array<i32>} : memref<320x128xf32, #tpu.memory_space<vmem>>, vector<1x16xf32>,
      %get3A_502 = vector.shape_cast %get3A_501 : vector<1x16xf32> to vector<16xf32>
      %mul3A_503 = arith.mulf %get3A_494, %get3A_502 : vector<16xf32>
      %add3A_504 = arith.addf %add3A_489, %mul3A_503 : vector<16xf32>
      %get3A_505 = arith.constant 7 : i32
      %get3A_506 = arith.index_cast %get3A_505 : i32 to index
      %get3A_507 = arith.constant 0 : index
      %get3A_508 = tpu.vector_load %arg9[%get3A_506, %get3A_507] {strides = array<i32>} : memref<10x16xf32, #tpu.memory_space<vmem>>, vector<1x16xf32>,
      %get3A_509 = vector.shape_cast %get3A_508 : vector<1x16xf32> to vector<16xf32>
      %mul3A_510 = arith.constant 10 : i32
      %mul3A_511 = arith.muli %scan3A_86, %mul3A_510 : i32
      %add3A_512 = arith.constant 7 : i32
      %add3A_513 = arith.addi %mul3A_511, %add3A_512 : i32
      %get3A_514 = arith.index_cast %add3A_513 : i32 to index
      %get3A_515 = arith.constant 32 : index
      %get3A_516 = tpu.vector_load %arg7[%get3A_514, %get3A_515] {strides = array<i32>} : memref<320x128xf32, #tpu.memory_space<vmem>>, vector<1x16xf32>,
      %get3A_517 = vector.shape_cast %get3A_516 : vector<1x16xf32> to vector<16xf32>
      %mul3A_518 = arith.mulf %get3A_509, %get3A_517 : vector<16xf32>
      %add3A_519 = arith.addf %add3A_504, %mul3A_518 : vector<16xf32>
      %get3A_520 = arith.constant 8 : i32
      %get3A_521 = arith.index_cast %get3A_520 : i32 to index
      %get3A_522 = arith.constant 0 : index
      %get3A_523 = tpu.vector_load %arg9[%get3A_521, %get3A_522] {strides = array<i32>} : memref<10x16xf32, #tpu.memory_space<vmem>>, vector<1x16xf32>,
      %get3A_524 = vector.shape_cast %get3A_523 : vector<1x16xf32> to vector<16xf32>
      %mul3A_525 = arith.constant 10 : i32
      %mul3A_526 = arith.muli %scan3A_86, %mul3A_525 : i32
      %add3A_527 = arith.constant 8 : i32
      %add3A_528 = arith.addi %mul3A_526, %add3A_527 : i32
      %get3A_529 = arith.index_cast %add3A_528 : i32 to index
      %get3A_530 = arith.constant 32 : index
      %get3A_531 = tpu.vector_load %arg7[%get3A_529, %get3A_530] {strides = array<i32>} : memref<320x128xf32, #tpu.memory_space<vmem>>, vector<1x16xf32>,
      %get3A_532 = vector.shape_cast %get3A_531 : vector<1x16xf32> to vector<16xf32>
      %mul3A_533 = arith.mulf %get3A_524, %get3A_532 : vector<16xf32>
      %add3A_534 = arith.addf %add3A_519, %mul3A_533 : vector<16xf32>
      %get3A_535 = arith.constant 9 : i32
      %get3A_536 = arith.index_cast %get3A_535 : i32 to index
      %get3A_537 = arith.constant 0 : index
      %get3A_538 = tpu.vector_load %arg9[%get3A_536, %get3A_537] {strides = array<i32>} : memref<10x16xf32, #tpu.memory_space<vmem>>, vector<1x16xf32>,
      %get3A_539 = vector.shape_cast %get3A_538 : vector<1x16xf32> to vector<16xf32>
      %mul3A_540 = arith.constant 10 : i32
      %mul3A_541 = arith.muli %scan3A_86, %mul3A_540 : i32
      %add3A_542 = arith.constant 9 : i32
      %add3A_543 = arith.addi %mul3A_541, %add3A_542 : i32
      %get3A_544 = arith.index_cast %add3A_543 : i32 to index
      %get3A_545 = arith.constant 32 : index
      %get3A_546 = tpu.vector_load %arg7[%get3A_544, %get3A_545] {strides = array<i32>} : memref<320x128xf32, #tpu.memory_space<vmem>>, vector<1x16xf32>,
      %get3A_547 = vector.shape_cast %get3A_546 : vector<1x16xf32> to vector<16xf32>
      %mul3A_548 = arith.mulf %get3A_539, %get3A_547 : vector<16xf32>
      %add3A_549 = arith.addf %add3A_534, %mul3A_548 : vector<16xf32>
      %swap3A_550 = arith.index_cast %scan3A_86 : i32 to index
      %swap3A_551 = arith.constant 32 : index
      %swap3A_552 = tpu.vector_load %arg8[%swap3A_550, %swap3A_551] {strides = array<i32>} : memref<32x128xf32, #tpu.memory_space<vmem>>, vector<1x16xf32>,
      %swap3A_553 = vector.shape_cast %swap3A_552 : vector<1x16xf32> to vector<16xf32>
      %swap3A_554 = vector.shape_cast %add3A_549 : vector<16xf32> to vector<1x16xf32>
      tpu.vector_store %arg8[%swap3A_550, %swap3A_551], %swap3A_554 {strides = array<i32>} : memref<32x128xf32, #tpu.memory_space<vmem>>, vector<1x16xf32>,
      %broadcast_in_dim3A_555 = arith.constant 0.000000e+00 : f32
      %broadcast_in_dim3A_556 = vector.broadcast %broadcast_in_dim3A_555 : f32 to vector<16xf32>
      %get3A_557 = arith.constant 0 : i32
      %get3A_558 = arith.index_cast %get3A_557 : i32 to index
      %get3A_559 = arith.constant 0 : index
      %get3A_560 = tpu.vector_load %arg9[%get3A_558, %get3A_559] {strides = array<i32>} : memref<10x16xf32, #tpu.memory_space<vmem>>, vector<1x16xf32>,
      %get3A_561 = vector.shape_cast %get3A_560 : vector<1x16xf32> to vector<16xf32>
      %mul3A_562 = arith.constant 10 : i32
      %mul3A_563 = arith.muli %scan3A_86, %mul3A_562 : i32
      %add3A_564 = arith.constant 0 : i32
      %add3A_565 = arith.addi %mul3A_563, %add3A_564 : i32
      %get3A_566 = arith.index_cast %add3A_565 : i32 to index
      %get3A_567 = arith.constant 48 : index
      %get3A_568 = tpu.vector_load %arg7[%get3A_566, %get3A_567] {strides = array<i32>} : memref<320x128xf32, #tpu.memory_space<vmem>>, vector<1x16xf32>,
      %get3A_569 = vector.shape_cast %get3A_568 : vector<1x16xf32> to vector<16xf32>
      %mul3A_570 = arith.mulf %get3A_561, %get3A_569 : vector<16xf32>
      %add3A_571 = arith.addf %broadcast_in_dim3A_556, %mul3A_570 : vector<16xf32>
      %get3A_572 = arith.constant 1 : i32
      %get3A_573 = arith.index_cast %get3A_572 : i32 to index
      %get3A_574 = arith.constant 0 : index
      %get3A_575 = tpu.vector_load %arg9[%get3A_573, %get3A_574] {strides = array<i32>} : memref<10x16xf32, #tpu.memory_space<vmem>>, vector<1x16xf32>,
      %get3A_576 = vector.shape_cast %get3A_575 : vector<1x16xf32> to vector<16xf32>
      %mul3A_577 = arith.constant 10 : i32
      %mul3A_578 = arith.muli %scan3A_86, %mul3A_577 : i32
      %add3A_579 = arith.constant 1 : i32
      %add3A_580 = arith.addi %mul3A_578, %add3A_579 : i32
      %get3A_581 = arith.index_cast %add3A_580 : i32 to index
      %get3A_582 = arith.constant 48 : index
      %get3A_583 = tpu.vector_load %arg7[%get3A_581, %get3A_582] {strides = array<i32>} : memref<320x128xf32, #tpu.memory_space<vmem>>, vector<1x16xf32>,
      %get3A_584 = vector.shape_cast %get3A_583 : vector<1x16xf32> to vector<16xf32>
      %mul3A_585 = arith.mulf %get3A_576, %get3A_584 : vector<16xf32>
      %add3A_586 = arith.addf %add3A_571, %mul3A_585 : vector<16xf32>
      %get3A_587 = arith.constant 2 : i32
      %get3A_588 = arith.index_cast %get3A_587 : i32 to index
      %get3A_589 = arith.constant 0 : index
      %get3A_590 = tpu.vector_load %arg9[%get3A_588, %get3A_589] {strides = array<i32>} : memref<10x16xf32, #tpu.memory_space<vmem>>, vector<1x16xf32>,
      %get3A_591 = vector.shape_cast %get3A_590 : vector<1x16xf32> to vector<16xf32>
      %mul3A_592 = arith.constant 10 : i32
      %mul3A_593 = arith.muli %scan3A_86, %mul3A_592 : i32
      %add3A_594 = arith.constant 2 : i32
      %add3A_595 = arith.addi %mul3A_593, %add3A_594 : i32
      %get3A_596 = arith.index_cast %add3A_595 : i32 to index
      %get3A_597 = arith.constant 48 : index
      %get3A_598 = tpu.vector_load %arg7[%get3A_596, %get3A_597] {strides = array<i32>} : memref<320x128xf32, #tpu.memory_space<vmem>>, vector<1x16xf32>,
      %get3A_599 = vector.shape_cast %get3A_598 : vector<1x16xf32> to vector<16xf32>
      %mul3A_600 = arith.mulf %get3A_591, %get3A_599 : vector<16xf32>
      %add3A_601 = arith.addf %add3A_586, %mul3A_600 : vector<16xf32>
      %get3A_602 = arith.constant 3 : i32
      %get3A_603 = arith.index_cast %get3A_602 : i32 to index
      %get3A_604 = arith.constant 0 : index
      %get3A_605 = tpu.vector_load %arg9[%get3A_603, %get3A_604] {strides = array<i32>} : memref<10x16xf32, #tpu.memory_space<vmem>>, vector<1x16xf32>,
      %get3A_606 = vector.shape_cast %get3A_605 : vector<1x16xf32> to vector<16xf32>
      %mul3A_607 = arith.constant 10 : i32
      %mul3A_608 = arith.muli %scan3A_86, %mul3A_607 : i32
      %add3A_609 = arith.constant 3 : i32
      %add3A_610 = arith.addi %mul3A_608, %add3A_609 : i32
      %get3A_611 = arith.index_cast %add3A_610 : i32 to index
      %get3A_612 = arith.constant 48 : index
      %get3A_613 = tpu.vector_load %arg7[%get3A_611, %get3A_612] {strides = array<i32>} : memref<320x128xf32, #tpu.memory_space<vmem>>, vector<1x16xf32>,
      %get3A_614 = vector.shape_cast %get3A_613 : vector<1x16xf32> to vector<16xf32>
      %mul3A_615 = arith.mulf %get3A_606, %get3A_614 : vector<16xf32>
      %add3A_616 = arith.addf %add3A_601, %mul3A_615 : vector<16xf32>
      %get3A_617 = arith.constant 4 : i32
      %get3A_618 = arith.index_cast %get3A_617 : i32 to index
      %get3A_619 = arith.constant 0 : index
      %get3A_620 = tpu.vector_load %arg9[%get3A_618, %get3A_619] {strides = array<i32>} : memref<10x16xf32, #tpu.memory_space<vmem>>, vector<1x16xf32>,
      %get3A_621 = vector.shape_cast %get3A_620 : vector<1x16xf32> to vector<16xf32>
      %mul3A_622 = arith.constant 10 : i32
      %mul3A_623 = arith.muli %scan3A_86, %mul3A_622 : i32
      %add3A_624 = arith.constant 4 : i32
      %add3A_625 = arith.addi %mul3A_623, %add3A_624 : i32
      %get3A_626 = arith.index_cast %add3A_625 : i32 to index
      %get3A_627 = arith.constant 48 : index
      %get3A_628 = tpu.vector_load %arg7[%get3A_626, %get3A_627] {strides = array<i32>} : memref<320x128xf32, #tpu.memory_space<vmem>>, vector<1x16xf32>,
      %get3A_629 = vector.shape_cast %get3A_628 : vector<1x16xf32> to vector<16xf32>
      %mul3A_630 = arith.mulf %get3A_621, %get3A_629 : vector<16xf32>
      %add3A_631 = arith.addf %add3A_616, %mul3A_630 : vector<16xf32>
      %get3A_632 = arith.constant 5 : i32
      %get3A_633 = arith.index_cast %get3A_632 : i32 to index
      %get3A_634 = arith.constant 0 : index
      %get3A_635 = tpu.vector_load %arg9[%get3A_633, %get3A_634] {strides = array<i32>} : memref<10x16xf32, #tpu.memory_space<vmem>>, vector<1x16xf32>,
      %get3A_636 = vector.shape_cast %get3A_635 : vector<1x16xf32> to vector<16xf32>
      %mul3A_637 = arith.constant 10 : i32
      %mul3A_638 = arith.muli %scan3A_86, %mul3A_637 : i32
      %add3A_639 = arith.constant 5 : i32
      %add3A_640 = arith.addi %mul3A_638, %add3A_639 : i32
      %get3A_641 = arith.index_cast %add3A_640 : i32 to index
      %get3A_642 = arith.constant 48 : index
      %get3A_643 = tpu.vector_load %arg7[%get3A_641, %get3A_642] {strides = array<i32>} : memref<320x128xf32, #tpu.memory_space<vmem>>, vector<1x16xf32>,
      %get3A_644 = vector.shape_cast %get3A_643 : vector<1x16xf32> to vector<16xf32>
      %mul3A_645 = arith.mulf %get3A_636, %get3A_644 : vector<16xf32>
      %add3A_646 = arith.addf %add3A_631, %mul3A_645 : vector<16xf32>
      %get3A_647 = arith.constant 6 : i32
      %get3A_648 = arith.index_cast %get3A_647 : i32 to index
      %get3A_649 = arith.constant 0 : index
      %get3A_650 = tpu.vector_load %arg9[%get3A_648, %get3A_649] {strides = array<i32>} : memref<10x16xf32, #tpu.memory_space<vmem>>, vector<1x16xf32>,
      %get3A_651 = vector.shape_cast %get3A_650 : vector<1x16xf32> to vector<16xf32>
      %mul3A_652 = arith.constant 10 : i32
      %mul3A_653 = arith.muli %scan3A_86, %mul3A_652 : i32
      %add3A_654 = arith.constant 6 : i32
      %add3A_655 = arith.addi %mul3A_653, %add3A_654 : i32
      %get3A_656 = arith.index_cast %add3A_655 : i32 to index
      %get3A_657 = arith.constant 48 : index
      %get3A_658 = tpu.vector_load %arg7[%get3A_656, %get3A_657] {strides = array<i32>} : memref<320x128xf32, #tpu.memory_space<vmem>>, vector<1x16xf32>,
      %get3A_659 = vector.shape_cast %get3A_658 : vector<1x16xf32> to vector<16xf32>
      %mul3A_660 = arith.mulf %get3A_651, %get3A_659 : vector<16xf32>
      %add3A_661 = arith.addf %add3A_646, %mul3A_660 : vector<16xf32>
      %get3A_662 = arith.constant 7 : i32
      %get3A_663 = arith.index_cast %get3A_662 : i32 to index
      %get3A_664 = arith.constant 0 : index
      %get3A_665 = tpu.vector_load %arg9[%get3A_663, %get3A_664] {strides = array<i32>} : memref<10x16xf32, #tpu.memory_space<vmem>>, vector<1x16xf32>,
      %get3A_666 = vector.shape_cast %get3A_665 : vector<1x16xf32> to vector<16xf32>
      %mul3A_667 = arith.constant 10 : i32
      %mul3A_668 = arith.muli %scan3A_86, %mul3A_667 : i32
      %add3A_669 = arith.constant 7 : i32
      %add3A_670 = arith.addi %mul3A_668, %add3A_669 : i32
      %get3A_671 = arith.index_cast %add3A_670 : i32 to index
      %get3A_672 = arith.constant 48 : index
      %get3A_673 = tpu.vector_load %arg7[%get3A_671, %get3A_672] {strides = array<i32>} : memref<320x128xf32, #tpu.memory_space<vmem>>, vector<1x16xf32>,
      %get3A_674 = vector.shape_cast %get3A_673 : vector<1x16xf32> to vector<16xf32>
      %mul3A_675 = arith.mulf %get3A_666, %get3A_674 : vector<16xf32>
      %add3A_676 = arith.addf %add3A_661, %mul3A_675 : vector<16xf32>
      %get3A_677 = arith.constant 8 : i32
      %get3A_678 = arith.index_cast %get3A_677 : i32 to index
      %get3A_679 = arith.constant 0 : index
      %get3A_680 = tpu.vector_load %arg9[%get3A_678, %get3A_679] {strides = array<i32>} : memref<10x16xf32, #tpu.memory_space<vmem>>, vector<1x16xf32>,
      %get3A_681 = vector.shape_cast %get3A_680 : vector<1x16xf32> to vector<16xf32>
      %mul3A_682 = arith.constant 10 : i32
      %mul3A_683 = arith.muli %scan3A_86, %mul3A_682 : i32
      %add3A_684 = arith.constant 8 : i32
      %add3A_685 = arith.addi %mul3A_683, %add3A_684 : i32
      %get3A_686 = arith.index_cast %add3A_685 : i32 to index
      %get3A_687 = arith.constant 48 : index
      %get3A_688 = tpu.vector_load %arg7[%get3A_686, %get3A_687] {strides = array<i32>} : memref<320x128xf32, #tpu.memory_space<vmem>>, vector<1x16xf32>,
      %get3A_689 = vector.shape_cast %get3A_688 : vector<1x16xf32> to vector<16xf32>
      %mul3A_690 = arith.mulf %get3A_681, %get3A_689 : vector<16xf32>
      %add3A_691 = arith.addf %add3A_676, %mul3A_690 : vector<16xf32>
      %get3A_692 = arith.constant 9 : i32
      %get3A_693 = arith.index_cast %get3A_692 : i32 to index
      %get3A_694 = arith.constant 0 : index
      %get3A_695 = tpu.vector_load %arg9[%get3A_693, %get3A_694] {strides = array<i32>} : memref<10x16xf32, #tpu.memory_space<vmem>>, vector<1x16xf32>,
      %get3A_696 = vector.shape_cast %get3A_695 : vector<1x16xf32> to vector<16xf32>
      %mul3A_697 = arith.constant 10 : i32
      %mul3A_698 = arith.muli %scan3A_86, %mul3A_697 : i32
      %add3A_699 = arith.constant 9 : i32
      %add3A_700 = arith.addi %mul3A_698, %add3A_699 : i32
      %get3A_701 = arith.index_cast %add3A_700 : i32 to index
      %get3A_702 = arith.constant 48 : index
      %get3A_703 = tpu.vector_load %arg7[%get3A_701, %get3A_702] {strides = array<i32>} : memref<320x128xf32, #tpu.memory_space<vmem>>, vector<1x16xf32>,
      %get3A_704 = vector.shape_cast %get3A_703 : vector<1x16xf32> to vector<16xf32>
      %mul3A_705 = arith.mulf %get3A_696, %get3A_704 : vector<16xf32>
      %add3A_706 = arith.addf %add3A_691, %mul3A_705 : vector<16xf32>
      %swap3A_707 = arith.index_cast %scan3A_86 : i32 to index
      %swap3A_708 = arith.constant 48 : index
      %swap3A_709 = tpu.vector_load %arg8[%swap3A_707, %swap3A_708] {strides = array<i32>} : memref<32x128xf32, #tpu.memory_space<vmem>>, vector<1x16xf32>,
      %swap3A_710 = vector.shape_cast %swap3A_709 : vector<1x16xf32> to vector<16xf32>
      %swap3A_711 = vector.shape_cast %add3A_706 : vector<16xf32> to vector<1x16xf32>
      tpu.vector_store %arg8[%swap3A_707, %swap3A_708], %swap3A_711 {strides = array<i32>} : memref<32x128xf32, #tpu.memory_space<vmem>>, vector<1x16xf32>,
      %broadcast_in_dim3A_712 = arith.constant 0.000000e+00 : f32
      %broadcast_in_dim3A_713 = vector.broadcast %broadcast_in_dim3A_712 : f32 to vector<16xf32>
      %get3A_714 = arith.constant 0 : i32
      %get3A_715 = arith.index_cast %get3A_714 : i32 to index
      %get3A_716 = arith.constant 0 : index
      %get3A_717 = tpu.vector_load %arg9[%get3A_715, %get3A_716] {strides = array<i32>} : memref<10x16xf32, #tpu.memory_space<vmem>>, vector<1x16xf32>,
      %get3A_718 = vector.shape_cast %get3A_717 : vector<1x16xf32> to vector<16xf32>
      %mul3A_719 = arith.constant 10 : i32
      %mul3A_720 = arith.muli %scan3A_86, %mul3A_719 : i32
      %add3A_721 = arith.constant 0 : i32
      %add3A_722 = arith.addi %mul3A_720, %add3A_721 : i32
      %get3A_723 = arith.index_cast %add3A_722 : i32 to index
      %get3A_724 = arith.constant 64 : index
      %get3A_725 = tpu.vector_load %arg7[%get3A_723, %get3A_724] {strides = array<i32>} : memref<320x128xf32, #tpu.memory_space<vmem>>, vector<1x16xf32>,
      %get3A_726 = vector.shape_cast %get3A_725 : vector<1x16xf32> to vector<16xf32>
      %mul3A_727 = arith.mulf %get3A_718, %get3A_726 : vector<16xf32>
      %add3A_728 = arith.addf %broadcast_in_dim3A_713, %mul3A_727 : vector<16xf32>
      %get3A_729 = arith.constant 1 : i32
      %get3A_730 = arith.index_cast %get3A_729 : i32 to index
      %get3A_731 = arith.constant 0 : index
      %get3A_732 = tpu.vector_load %arg9[%get3A_730, %get3A_731] {strides = array<i32>} : memref<10x16xf32, #tpu.memory_space<vmem>>, vector<1x16xf32>,
      %get3A_733 = vector.shape_cast %get3A_732 : vector<1x16xf32> to vector<16xf32>
      %mul3A_734 = arith.constant 10 : i32
      %mul3A_735 = arith.muli %scan3A_86, %mul3A_734 : i32
      %add3A_736 = arith.constant 1 : i32
      %add3A_737 = arith.addi %mul3A_735, %add3A_736 : i32
      %get3A_738 = arith.index_cast %add3A_737 : i32 to index
      %get3A_739 = arith.constant 64 : index
      %get3A_740 = tpu.vector_load %arg7[%get3A_738, %get3A_739] {strides = array<i32>} : memref<320x128xf32, #tpu.memory_space<vmem>>, vector<1x16xf32>,
      %get3A_741 = vector.shape_cast %get3A_740 : vector<1x16xf32> to vector<16xf32>
      %mul3A_742 = arith.mulf %get3A_733, %get3A_741 : vector<16xf32>
      %add3A_743 = arith.addf %add3A_728, %mul3A_742 : vector<16xf32>
      %get3A_744 = arith.constant 2 : i32
      %get3A_745 = arith.index_cast %get3A_744 : i32 to index
      %get3A_746 = arith.constant 0 : index
      %get3A_747 = tpu.vector_load %arg9[%get3A_745, %get3A_746] {strides = array<i32>} : memref<10x16xf32, #tpu.memory_space<vmem>>, vector<1x16xf32>,
      %get3A_748 = vector.shape_cast %get3A_747 : vector<1x16xf32> to vector<16xf32>
      %mul3A_749 = arith.constant 10 : i32
      %mul3A_750 = arith.muli %scan3A_86, %mul3A_749 : i32
      %add3A_751 = arith.constant 2 : i32
      %add3A_752 = arith.addi %mul3A_750, %add3A_751 : i32
      %get3A_753 = arith.index_cast %add3A_752 : i32 to index
      %get3A_754 = arith.constant 64 : index
      %get3A_755 = tpu.vector_load %arg7[%get3A_753, %get3A_754] {strides = array<i32>} : memref<320x128xf32, #tpu.memory_space<vmem>>, vector<1x16xf32>,
      %get3A_756 = vector.shape_cast %get3A_755 : vector<1x16xf32> to vector<16xf32>
      %mul3A_757 = arith.mulf %get3A_748, %get3A_756 : vector<16xf32>
      %add3A_758 = arith.addf %add3A_743, %mul3A_757 : vector<16xf32>
      %get3A_759 = arith.constant 3 : i32
      %get3A_760 = arith.index_cast %get3A_759 : i32 to index
      %get3A_761 = arith.constant 0 : index
      %get3A_762 = tpu.vector_load %arg9[%get3A_760, %get3A_761] {strides = array<i32>} : memref<10x16xf32, #tpu.memory_space<vmem>>, vector<1x16xf32>,
      %get3A_763 = vector.shape_cast %get3A_762 : vector<1x16xf32> to vector<16xf32>
      %mul3A_764 = arith.constant 10 : i32
      %mul3A_765 = arith.muli %scan3A_86, %mul3A_764 : i32
      %add3A_766 = arith.constant 3 : i32
      %add3A_767 = arith.addi %mul3A_765, %add3A_766 : i32
      %get3A_768 = arith.index_cast %add3A_767 : i32 to index
      %get3A_769 = arith.constant 64 : index
      %get3A_770 = tpu.vector_load %arg7[%get3A_768, %get3A_769] {strides = array<i32>} : memref<320x128xf32, #tpu.memory_space<vmem>>, vector<1x16xf32>,
      %get3A_771 = vector.shape_cast %get3A_770 : vector<1x16xf32> to vector<16xf32>
      %mul3A_772 = arith.mulf %get3A_763, %get3A_771 : vector<16xf32>
      %add3A_773 = arith.addf %add3A_758, %mul3A_772 : vector<16xf32>
      %get3A_774 = arith.constant 4 : i32
      %get3A_775 = arith.index_cast %get3A_774 : i32 to index
      %get3A_776 = arith.constant 0 : index
      %get3A_777 = tpu.vector_load %arg9[%get3A_775, %get3A_776] {strides = array<i32>} : memref<10x16xf32, #tpu.memory_space<vmem>>, vector<1x16xf32>,
      %get3A_778 = vector.shape_cast %get3A_777 : vector<1x16xf32> to vector<16xf32>
      %mul3A_779 = arith.constant 10 : i32
      %mul3A_780 = arith.muli %scan3A_86, %mul3A_779 : i32
      %add3A_781 = arith.constant 4 : i32
      %add3A_782 = arith.addi %mul3A_780, %add3A_781 : i32
      %get3A_783 = arith.index_cast %add3A_782 : i32 to index
      %get3A_784 = arith.constant 64 : index
      %get3A_785 = tpu.vector_load %arg7[%get3A_783, %get3A_784] {strides = array<i32>} : memref<320x128xf32, #tpu.memory_space<vmem>>, vector<1x16xf32>,
      %get3A_786 = vector.shape_cast %get3A_785 : vector<1x16xf32> to vector<16xf32>
      %mul3A_787 = arith.mulf %get3A_778, %get3A_786 : vector<16xf32>
      %add3A_788 = arith.addf %add3A_773, %mul3A_787 : vector<16xf32>
      %get3A_789 = arith.constant 5 : i32
      %get3A_790 = arith.index_cast %get3A_789 : i32 to index
      %get3A_791 = arith.constant 0 : index
      %get3A_792 = tpu.vector_load %arg9[%get3A_790, %get3A_791] {strides = array<i32>} : memref<10x16xf32, #tpu.memory_space<vmem>>, vector<1x16xf32>,
      %get3A_793 = vector.shape_cast %get3A_792 : vector<1x16xf32> to vector<16xf32>
      %mul3A_794 = arith.constant 10 : i32
      %mul3A_795 = arith.muli %scan3A_86, %mul3A_794 : i32
      %add3A_796 = arith.constant 5 : i32
      %add3A_797 = arith.addi %mul3A_795, %add3A_796 : i32
      %get3A_798 = arith.index_cast %add3A_797 : i32 to index
      %get3A_799 = arith.constant 64 : index
      %get3A_800 = tpu.vector_load %arg7[%get3A_798, %get3A_799] {strides = array<i32>} : memref<320x128xf32, #tpu.memory_space<vmem>>, vector<1x16xf32>,
      %get3A_801 = vector.shape_cast %get3A_800 : vector<1x16xf32> to vector<16xf32>
      %mul3A_802 = arith.mulf %get3A_793, %get3A_801 : vector<16xf32>
      %add3A_803 = arith.addf %add3A_788, %mul3A_802 : vector<16xf32>
      %get3A_804 = arith.constant 6 : i32
      %get3A_805 = arith.index_cast %get3A_804 : i32 to index
      %get3A_806 = arith.constant 0 : index
      %get3A_807 = tpu.vector_load %arg9[%get3A_805, %get3A_806] {strides = array<i32>} : memref<10x16xf32, #tpu.memory_space<vmem>>, vector<1x16xf32>,
      %get3A_808 = vector.shape_cast %get3A_807 : vector<1x16xf32> to vector<16xf32>
      %mul3A_809 = arith.constant 10 : i32
      %mul3A_810 = arith.muli %scan3A_86, %mul3A_809 : i32
      %add3A_811 = arith.constant 6 : i32
      %add3A_812 = arith.addi %mul3A_810, %add3A_811 : i32
      %get3A_813 = arith.index_cast %add3A_812 : i32 to index
      %get3A_814 = arith.constant 64 : index
      %get3A_815 = tpu.vector_load %arg7[%get3A_813, %get3A_814] {strides = array<i32>} : memref<320x128xf32, #tpu.memory_space<vmem>>, vector<1x16xf32>,
      %get3A_816 = vector.shape_cast %get3A_815 : vector<1x16xf32> to vector<16xf32>
      %mul3A_817 = arith.mulf %get3A_808, %get3A_816 : vector<16xf32>
      %add3A_818 = arith.addf %add3A_803, %mul3A_817 : vector<16xf32>
      %get3A_819 = arith.constant 7 : i32
      %get3A_820 = arith.index_cast %get3A_819 : i32 to index
      %get3A_821 = arith.constant 0 : index
      %get3A_822 = tpu.vector_load %arg9[%get3A_820, %get3A_821] {strides = array<i32>} : memref<10x16xf32, #tpu.memory_space<vmem>>, vector<1x16xf32>,
      %get3A_823 = vector.shape_cast %get3A_822 : vector<1x16xf32> to vector<16xf32>
      %mul3A_824 = arith.constant 10 : i32
      %mul3A_825 = arith.muli %scan3A_86, %mul3A_824 : i32
      %add3A_826 = arith.constant 7 : i32
      %add3A_827 = arith.addi %mul3A_825, %add3A_826 : i32
      %get3A_828 = arith.index_cast %add3A_827 : i32 to index
      %get3A_829 = arith.constant 64 : index
      %get3A_830 = tpu.vector_load %arg7[%get3A_828, %get3A_829] {strides = array<i32>} : memref<320x128xf32, #tpu.memory_space<vmem>>, vector<1x16xf32>,
      %get3A_831 = vector.shape_cast %get3A_830 : vector<1x16xf32> to vector<16xf32>
      %mul3A_832 = arith.mulf %get3A_823, %get3A_831 : vector<16xf32>
      %add3A_833 = arith.addf %add3A_818, %mul3A_832 : vector<16xf32>
      %get3A_834 = arith.constant 8 : i32
      %get3A_835 = arith.index_cast %get3A_834 : i32 to index
      %get3A_836 = arith.constant 0 : index
      %get3A_837 = tpu.vector_load %arg9[%get3A_835, %get3A_836] {strides = array<i32>} : memref<10x16xf32, #tpu.memory_space<vmem>>, vector<1x16xf32>,
      %get3A_838 = vector.shape_cast %get3A_837 : vector<1x16xf32> to vector<16xf32>
      %mul3A_839 = arith.constant 10 : i32
      %mul3A_840 = arith.muli %scan3A_86, %mul3A_839 : i32
      %add3A_841 = arith.constant 8 : i32
      %add3A_842 = arith.addi %mul3A_840, %add3A_841 : i32
      %get3A_843 = arith.index_cast %add3A_842 : i32 to index
      %get3A_844 = arith.constant 64 : index
      %get3A_845 = tpu.vector_load %arg7[%get3A_843, %get3A_844] {strides = array<i32>} : memref<320x128xf32, #tpu.memory_space<vmem>>, vector<1x16xf32>,
      %get3A_846 = vector.shape_cast %get3A_845 : vector<1x16xf32> to vector<16xf32>
      %mul3A_847 = arith.mulf %get3A_838, %get3A_846 : vector<16xf32>
      %add3A_848 = arith.addf %add3A_833, %mul3A_847 : vector<16xf32>
      %get3A_849 = arith.constant 9 : i32
      %get3A_850 = arith.index_cast %get3A_849 : i32 to index
      %get3A_851 = arith.constant 0 : index
      %get3A_852 = tpu.vector_load %arg9[%get3A_850, %get3A_851] {strides = array<i32>} : memref<10x16xf32, #tpu.memory_space<vmem>>, vector<1x16xf32>,
      %get3A_853 = vector.shape_cast %get3A_852 : vector<1x16xf32> to vector<16xf32>
      %mul3A_854 = arith.constant 10 : i32
      %mul3A_855 = arith.muli %scan3A_86, %mul3A_854 : i32
      %add3A_856 = arith.constant 9 : i32
      %add3A_857 = arith.addi %mul3A_855, %add3A_856 : i32
      %get3A_858 = arith.index_cast %add3A_857 : i32 to index
      %get3A_859 = arith.constant 64 : index
      %get3A_860 = tpu.vector_load %arg7[%get3A_858, %get3A_859] {strides = array<i32>} : memref<320x128xf32, #tpu.memory_space<vmem>>, vector<1x16xf32>,
      %get3A_861 = vector.shape_cast %get3A_860 : vector<1x16xf32> to vector<16xf32>
      %mul3A_862 = arith.mulf %get3A_853, %get3A_861 : vector<16xf32>
      %add3A_863 = arith.addf %add3A_848, %mul3A_862 : vector<16xf32>
      %swap3A_864 = arith.index_cast %scan3A_86 : i32 to index
      %swap3A_865 = arith.constant 64 : index
      %swap3A_866 = tpu.vector_load %arg8[%swap3A_864, %swap3A_865] {strides = array<i32>} : memref<32x128xf32, #tpu.memory_space<vmem>>, vector<1x16xf32>,
      %swap3A_867 = vector.shape_cast %swap3A_866 : vector<1x16xf32> to vector<16xf32>
      %swap3A_868 = vector.shape_cast %add3A_863 : vector<16xf32> to vector<1x16xf32>
      tpu.vector_store %arg8[%swap3A_864, %swap3A_865], %swap3A_868 {strides = array<i32>} : memref<32x128xf32, #tpu.memory_space<vmem>>, vector<1x16xf32>,
      %broadcast_in_dim3A_869 = arith.constant 0.000000e+00 : f32
      %broadcast_in_dim3A_870 = vector.broadcast %broadcast_in_dim3A_869 : f32 to vector<16xf32>
      %get3A_871 = arith.constant 0 : i32
      %get3A_872 = arith.index_cast %get3A_871 : i32 to index
      %get3A_873 = arith.constant 0 : index
      %get3A_874 = tpu.vector_load %arg9[%get3A_872, %get3A_873] {strides = array<i32>} : memref<10x16xf32, #tpu.memory_space<vmem>>, vector<1x16xf32>,
      %get3A_875 = vector.shape_cast %get3A_874 : vector<1x16xf32> to vector<16xf32>
      %mul3A_876 = arith.constant 10 : i32
      %mul3A_877 = arith.muli %scan3A_86, %mul3A_876 : i32
      %add3A_878 = arith.constant 0 : i32
      %add3A_879 = arith.addi %mul3A_877, %add3A_878 : i32
      %get3A_880 = arith.index_cast %add3A_879 : i32 to index
      %get3A_881 = arith.constant 80 : index
      %get3A_882 = tpu.vector_load %arg7[%get3A_880, %get3A_881] {strides = array<i32>} : memref<320x128xf32, #tpu.memory_space<vmem>>, vector<1x16xf32>,
      %get3A_883 = vector.shape_cast %get3A_882 : vector<1x16xf32> to vector<16xf32>
      %mul3A_884 = arith.mulf %get3A_875, %get3A_883 : vector<16xf32>
      %add3A_885 = arith.addf %broadcast_in_dim3A_870, %mul3A_884 : vector<16xf32>
      %get3A_886 = arith.constant 1 : i32
      %get3A_887 = arith.index_cast %get3A_886 : i32 to index
      %get3A_888 = arith.constant 0 : index
      %get3A_889 = tpu.vector_load %arg9[%get3A_887, %get3A_888] {strides = array<i32>} : memref<10x16xf32, #tpu.memory_space<vmem>>, vector<1x16xf32>,
      %get3A_890 = vector.shape_cast %get3A_889 : vector<1x16xf32> to vector<16xf32>
      %mul3A_891 = arith.constant 10 : i32
      %mul3A_892 = arith.muli %scan3A_86, %mul3A_891 : i32
      %add3A_893 = arith.constant 1 : i32
      %add3A_894 = arith.addi %mul3A_892, %add3A_893 : i32
      %get3A_895 = arith.index_cast %add3A_894 : i32 to index
      %get3A_896 = arith.constant 80 : index
      %get3A_897 = tpu.vector_load %arg7[%get3A_895, %get3A_896] {strides = array<i32>} : memref<320x128xf32, #tpu.memory_space<vmem>>, vector<1x16xf32>,
      %get3A_898 = vector.shape_cast %get3A_897 : vector<1x16xf32> to vector<16xf32>
      %mul3A_899 = arith.mulf %get3A_890, %get3A_898 : vector<16xf32>
      %add3A_900 = arith.addf %add3A_885, %mul3A_899 : vector<16xf32>
      %get3A_901 = arith.constant 2 : i32
      %get3A_902 = arith.index_cast %get3A_901 : i32 to index
      %get3A_903 = arith.constant 0 : index
      %get3A_904 = tpu.vector_load %arg9[%get3A_902, %get3A_903] {strides = array<i32>} : memref<10x16xf32, #tpu.memory_space<vmem>>, vector<1x16xf32>,
      %get3A_905 = vector.shape_cast %get3A_904 : vector<1x16xf32> to vector<16xf32>
      %mul3A_906 = arith.constant 10 : i32
      %mul3A_907 = arith.muli %scan3A_86, %mul3A_906 : i32
      %add3A_908 = arith.constant 2 : i32
      %add3A_909 = arith.addi %mul3A_907, %add3A_908 : i32
      %get3A_910 = arith.index_cast %add3A_909 : i32 to index
      %get3A_911 = arith.constant 80 : index
      %get3A_912 = tpu.vector_load %arg7[%get3A_910, %get3A_911] {strides = array<i32>} : memref<320x128xf32, #tpu.memory_space<vmem>>, vector<1x16xf32>,
      %get3A_913 = vector.shape_cast %get3A_912 : vector<1x16xf32> to vector<16xf32>
      %mul3A_914 = arith.mulf %get3A_905, %get3A_913 : vector<16xf32>
      %add3A_915 = arith.addf %add3A_900, %mul3A_914 : vector<16xf32>
      %get3A_916 = arith.constant 3 : i32
      %get3A_917 = arith.index_cast %get3A_916 : i32 to index
      %get3A_918 = arith.constant 0 : index
      %get3A_919 = tpu.vector_load %arg9[%get3A_917, %get3A_918] {strides = array<i32>} : memref<10x16xf32, #tpu.memory_space<vmem>>, vector<1x16xf32>,
      %get3A_920 = vector.shape_cast %get3A_919 : vector<1x16xf32> to vector<16xf32>
      %mul3A_921 = arith.constant 10 : i32
      %mul3A_922 = arith.muli %scan3A_86, %mul3A_921 : i32
      %add3A_923 = arith.constant 3 : i32
      %add3A_924 = arith.addi %mul3A_922, %add3A_923 : i32
      %get3A_925 = arith.index_cast %add3A_924 : i32 to index
      %get3A_926 = arith.constant 80 : index
      %get3A_927 = tpu.vector_load %arg7[%get3A_925, %get3A_926] {strides = array<i32>} : memref<320x128xf32, #tpu.memory_space<vmem>>, vector<1x16xf32>,
      %get3A_928 = vector.shape_cast %get3A_927 : vector<1x16xf32> to vector<16xf32>
      %mul3A_929 = arith.mulf %get3A_920, %get3A_928 : vector<16xf32>
      %add3A_930 = arith.addf %add3A_915, %mul3A_929 : vector<16xf32>
      %get3A_931 = arith.constant 4 : i32
      %get3A_932 = arith.index_cast %get3A_931 : i32 to index
      %get3A_933 = arith.constant 0 : index
      %get3A_934 = tpu.vector_load %arg9[%get3A_932, %get3A_933] {strides = array<i32>} : memref<10x16xf32, #tpu.memory_space<vmem>>, vector<1x16xf32>,
      %get3A_935 = vector.shape_cast %get3A_934 : vector<1x16xf32> to vector<16xf32>
      %mul3A_936 = arith.constant 10 : i32
      %mul3A_937 = arith.muli %scan3A_86, %mul3A_936 : i32
      %add3A_938 = arith.constant 4 : i32
      %add3A_939 = arith.addi %mul3A_937, %add3A_938 : i32
      %get3A_940 = arith.index_cast %add3A_939 : i32 to index
      %get3A_941 = arith.constant 80 : index
      %get3A_942 = tpu.vector_load %arg7[%get3A_940, %get3A_941] {strides = array<i32>} : memref<320x128xf32, #tpu.memory_space<vmem>>, vector<1x16xf32>,
      %get3A_943 = vector.shape_cast %get3A_942 : vector<1x16xf32> to vector<16xf32>
      %mul3A_944 = arith.mulf %get3A_935, %get3A_943 : vector<16xf32>
      %add3A_945 = arith.addf %add3A_930, %mul3A_944 : vector<16xf32>
      %get3A_946 = arith.constant 5 : i32
      %get3A_947 = arith.index_cast %get3A_946 : i32 to index
      %get3A_948 = arith.constant 0 : index
      %get3A_949 = tpu.vector_load %arg9[%get3A_947, %get3A_948] {strides = array<i32>} : memref<10x16xf32, #tpu.memory_space<vmem>>, vector<1x16xf32>,
      %get3A_950 = vector.shape_cast %get3A_949 : vector<1x16xf32> to vector<16xf32>
      %mul3A_951 = arith.constant 10 : i32
      %mul3A_952 = arith.muli %scan3A_86, %mul3A_951 : i32
      %add3A_953 = arith.constant 5 : i32
      %add3A_954 = arith.addi %mul3A_952, %add3A_953 : i32
      %get3A_955 = arith.index_cast %add3A_954 : i32 to index
      %get3A_956 = arith.constant 80 : index
      %get3A_957 = tpu.vector_load %arg7[%get3A_955, %get3A_956] {strides = array<i32>} : memref<320x128xf32, #tpu.memory_space<vmem>>, vector<1x16xf32>,
      %get3A_958 = vector.shape_cast %get3A_957 : vector<1x16xf32> to vector<16xf32>
      %mul3A_959 = arith.mulf %get3A_950, %get3A_958 : vector<16xf32>
      %add3A_960 = arith.addf %add3A_945, %mul3A_959 : vector<16xf32>
      %get3A_961 = arith.constant 6 : i32
      %get3A_962 = arith.index_cast %get3A_961 : i32 to index
      %get3A_963 = arith.constant 0 : index
      %get3A_964 = tpu.vector_load %arg9[%get3A_962, %get3A_963] {strides = array<i32>} : memref<10x16xf32, #tpu.memory_space<vmem>>, vector<1x16xf32>,
      %get3A_965 = vector.shape_cast %get3A_964 : vector<1x16xf32> to vector<16xf32>
      %mul3A_966 = arith.constant 10 : i32
      %mul3A_967 = arith.muli %scan3A_86, %mul3A_966 : i32
      %add3A_968 = arith.constant 6 : i32
      %add3A_969 = arith.addi %mul3A_967, %add3A_968 : i32
      %get3A_970 = arith.index_cast %add3A_969 : i32 to index
      %get3A_971 = arith.constant 80 : index
      %get3A_972 = tpu.vector_load %arg7[%get3A_970, %get3A_971] {strides = array<i32>} : memref<320x128xf32, #tpu.memory_space<vmem>>, vector<1x16xf32>,
      %get3A_973 = vector.shape_cast %get3A_972 : vector<1x16xf32> to vector<16xf32>
      %mul3A_974 = arith.mulf %get3A_965, %get3A_973 : vector<16xf32>
      %add3A_975 = arith.addf %add3A_960, %mul3A_974 : vector<16xf32>
      %get3A_976 = arith.constant 7 : i32
      %get3A_977 = arith.index_cast %get3A_976 : i32 to index
      %get3A_978 = arith.constant 0 : index
      %get3A_979 = tpu.vector_load %arg9[%get3A_977, %get3A_978] {strides = array<i32>} : memref<10x16xf32, #tpu.memory_space<vmem>>, vector<1x16xf32>,
      %get3A_980 = vector.shape_cast %get3A_979 : vector<1x16xf32> to vector<16xf32>
      %mul3A_981 = arith.constant 10 : i32
      %mul3A_982 = arith.muli %scan3A_86, %mul3A_981 : i32
      %add3A_983 = arith.constant 7 : i32
      %add3A_984 = arith.addi %mul3A_982, %add3A_983 : i32
      %get3A_985 = arith.index_cast %add3A_984 : i32 to index
      %get3A_986 = arith.constant 80 : index
      %get3A_987 = tpu.vector_load %arg7[%get3A_985, %get3A_986] {strides = array<i32>} : memref<320x128xf32, #tpu.memory_space<vmem>>, vector<1x16xf32>,
      %get3A_988 = vector.shape_cast %get3A_987 : vector<1x16xf32> to vector<16xf32>
      %mul3A_989 = arith.mulf %get3A_980, %get3A_988 : vector<16xf32>
      %add3A_990 = arith.addf %add3A_975, %mul3A_989 : vector<16xf32>
      %get3A_991 = arith.constant 8 : i32
      %get3A_992 = arith.index_cast %get3A_991 : i32 to index
      %get3A_993 = arith.constant 0 : index
      %get3A_994 = tpu.vector_load %arg9[%get3A_992, %get3A_993] {strides = array<i32>} : memref<10x16xf32, #tpu.memory_space<vmem>>, vector<1x16xf32>,
      %get3A_995 = vector.shape_cast %get3A_994 : vector<1x16xf32> to vector<16xf32>
      %mul3A_996 = arith.constant 10 : i32
      %mul3A_997 = arith.muli %scan3A_86, %mul3A_996 : i32
      %add3A_998 = arith.constant 8 : i32
      %add3A_999 = arith.addi %mul3A_997, %add3A_998 : i32
      %get3A_1000 = arith.index_cast %add3A_999 : i32 to index
      %get3A_1001 = arith.constant 80 : index
      %get3A_1002 = tpu.vector_load %arg7[%get3A_1000, %get3A_1001] {strides = array<i32>} : memref<320x128xf32, #tpu.memory_space<vmem>>, vector<1x16xf32>,
      %get3A_1003 = vector.shape_cast %get3A_1002 : vector<1x16xf32> to vector<16xf32>
      %mul3A_1004 = arith.mulf %get3A_995, %get3A_1003 : vector<16xf32>
      %add3A_1005 = arith.addf %add3A_990, %mul3A_1004 : vector<16xf32>
      %get3A_1006 = arith.constant 9 : i32
      %get3A_1007 = arith.index_cast %get3A_1006 : i32 to index
      %get3A_1008 = arith.constant 0 : index
      %get3A_1009 = tpu.vector_load %arg9[%get3A_1007, %get3A_1008] {strides = array<i32>} : memref<10x16xf32, #tpu.memory_space<vmem>>, vector<1x16xf32>,
      %get3A_1010 = vector.shape_cast %get3A_1009 : vector<1x16xf32> to vector<16xf32>
      %mul3A_1011 = arith.constant 10 : i32
      %mul3A_1012 = arith.muli %scan3A_86, %mul3A_1011 : i32
      %add3A_1013 = arith.constant 9 : i32
      %add3A_1014 = arith.addi %mul3A_1012, %add3A_1013 : i32
      %get3A_1015 = arith.index_cast %add3A_1014 : i32 to index
      %get3A_1016 = arith.constant 80 : index
      %get3A_1017 = tpu.vector_load %arg7[%get3A_1015, %get3A_1016] {strides = array<i32>} : memref<320x128xf32, #tpu.memory_space<vmem>>, vector<1x16xf32>,
      %get3A_1018 = vector.shape_cast %get3A_1017 : vector<1x16xf32> to vector<16xf32>
      %mul3A_1019 = arith.mulf %get3A_1010, %get3A_1018 : vector<16xf32>
      %add3A_1020 = arith.addf %add3A_1005, %mul3A_1019 : vector<16xf32>
      %swap3A_1021 = arith.index_cast %scan3A_86 : i32 to index
      %swap3A_1022 = arith.constant 80 : index
      %swap3A_1023 = tpu.vector_load %arg8[%swap3A_1021, %swap3A_1022] {strides = array<i32>} : memref<32x128xf32, #tpu.memory_space<vmem>>, vector<1x16xf32>,
      %swap3A_1024 = vector.shape_cast %swap3A_1023 : vector<1x16xf32> to vector<16xf32>
      %swap3A_1025 = vector.shape_cast %add3A_1020 : vector<16xf32> to vector<1x16xf32>
      tpu.vector_store %arg8[%swap3A_1021, %swap3A_1022], %swap3A_1025 {strides = array<i32>} : memref<32x128xf32, #tpu.memory_space<vmem>>, vector<1x16xf32>,
      %broadcast_in_dim3A_1026 = arith.constant 0.000000e+00 : f32
      %broadcast_in_dim3A_1027 = vector.broadcast %broadcast_in_dim3A_1026 : f32 to vector<16xf32>
      %get3A_1028 = arith.constant 0 : i32
      %get3A_1029 = arith.index_cast %get3A_1028 : i32 to index
      %get3A_1030 = arith.constant 0 : index
      %get3A_1031 = tpu.vector_load %arg9[%get3A_1029, %get3A_1030] {strides = array<i32>} : memref<10x16xf32, #tpu.memory_space<vmem>>, vector<1x16xf32>,
      %get3A_1032 = vector.shape_cast %get3A_1031 : vector<1x16xf32> to vector<16xf32>
      %mul3A_1033 = arith.constant 10 : i32
      %mul3A_1034 = arith.muli %scan3A_86, %mul3A_1033 : i32
      %add3A_1035 = arith.constant 0 : i32
      %add3A_1036 = arith.addi %mul3A_1034, %add3A_1035 : i32
      %get3A_1037 = arith.index_cast %add3A_1036 : i32 to index
      %get3A_1038 = arith.constant 96 : index
      %get3A_1039 = tpu.vector_load %arg7[%get3A_1037, %get3A_1038] {strides = array<i32>} : memref<320x128xf32, #tpu.memory_space<vmem>>, vector<1x16xf32>,
      %get3A_1040 = vector.shape_cast %get3A_1039 : vector<1x16xf32> to vector<16xf32>
      %mul3A_1041 = arith.mulf %get3A_1032, %get3A_1040 : vector<16xf32>
      %add3A_1042 = arith.addf %broadcast_in_dim3A_1027, %mul3A_1041 : vector<16xf32>
      %get3A_1043 = arith.constant 1 : i32
      %get3A_1044 = arith.index_cast %get3A_1043 : i32 to index
      %get3A_1045 = arith.constant 0 : index
      %get3A_1046 = tpu.vector_load %arg9[%get3A_1044, %get3A_1045] {strides = array<i32>} : memref<10x16xf32, #tpu.memory_space<vmem>>, vector<1x16xf32>,
      %get3A_1047 = vector.shape_cast %get3A_1046 : vector<1x16xf32> to vector<16xf32>
      %mul3A_1048 = arith.constant 10 : i32
      %mul3A_1049 = arith.muli %scan3A_86, %mul3A_1048 : i32
      %add3A_1050 = arith.constant 1 : i32
      %add3A_1051 = arith.addi %mul3A_1049, %add3A_1050 : i32
      %get3A_1052 = arith.index_cast %add3A_1051 : i32 to index
      %get3A_1053 = arith.constant 96 : index
      %get3A_1054 = tpu.vector_load %arg7[%get3A_1052, %get3A_1053] {strides = array<i32>} : memref<320x128xf32, #tpu.memory_space<vmem>>, vector<1x16xf32>,
      %get3A_1055 = vector.shape_cast %get3A_1054 : vector<1x16xf32> to vector<16xf32>
      %mul3A_1056 = arith.mulf %get3A_1047, %get3A_1055 : vector<16xf32>
      %add3A_1057 = arith.addf %add3A_1042, %mul3A_1056 : vector<16xf32>
      %get3A_1058 = arith.constant 2 : i32
      %get3A_1059 = arith.index_cast %get3A_1058 : i32 to index
      %get3A_1060 = arith.constant 0 : index
      %get3A_1061 = tpu.vector_load %arg9[%get3A_1059, %get3A_1060] {strides = array<i32>} : memref<10x16xf32, #tpu.memory_space<vmem>>, vector<1x16xf32>,
      %get3A_1062 = vector.shape_cast %get3A_1061 : vector<1x16xf32> to vector<16xf32>
      %mul3A_1063 = arith.constant 10 : i32
      %mul3A_1064 = arith.muli %scan3A_86, %mul3A_1063 : i32
      %add3A_1065 = arith.constant 2 : i32
      %add3A_1066 = arith.addi %mul3A_1064, %add3A_1065 : i32
      %get3A_1067 = arith.index_cast %add3A_1066 : i32 to index
      %get3A_1068 = arith.constant 96 : index
      %get3A_1069 = tpu.vector_load %arg7[%get3A_1067, %get3A_1068] {strides = array<i32>} : memref<320x128xf32, #tpu.memory_space<vmem>>, vector<1x16xf32>,
      %get3A_1070 = vector.shape_cast %get3A_1069 : vector<1x16xf32> to vector<16xf32>
      %mul3A_1071 = arith.mulf %get3A_1062, %get3A_1070 : vector<16xf32>
      %add3A_1072 = arith.addf %add3A_1057, %mul3A_1071 : vector<16xf32>
      %get3A_1073 = arith.constant 3 : i32
      %get3A_1074 = arith.index_cast %get3A_1073 : i32 to index
      %get3A_1075 = arith.constant 0 : index
      %get3A_1076 = tpu.vector_load %arg9[%get3A_1074, %get3A_1075] {strides = array<i32>} : memref<10x16xf32, #tpu.memory_space<vmem>>, vector<1x16xf32>,
      %get3A_1077 = vector.shape_cast %get3A_1076 : vector<1x16xf32> to vector<16xf32>
      %mul3A_1078 = arith.constant 10 : i32
      %mul3A_1079 = arith.muli %scan3A_86, %mul3A_1078 : i32
      %add3A_1080 = arith.constant 3 : i32
      %add3A_1081 = arith.addi %mul3A_1079, %add3A_1080 : i32
      %get3A_1082 = arith.index_cast %add3A_1081 : i32 to index
      %get3A_1083 = arith.constant 96 : index
      %get3A_1084 = tpu.vector_load %arg7[%get3A_1082, %get3A_1083] {strides = array<i32>} : memref<320x128xf32, #tpu.memory_space<vmem>>, vector<1x16xf32>,
      %get3A_1085 = vector.shape_cast %get3A_1084 : vector<1x16xf32> to vector<16xf32>
      %mul3A_1086 = arith.mulf %get3A_1077, %get3A_1085 : vector<16xf32>
      %add3A_1087 = arith.addf %add3A_1072, %mul3A_1086 : vector<16xf32>
      %get3A_1088 = arith.constant 4 : i32
      %get3A_1089 = arith.index_cast %get3A_1088 : i32 to index
      %get3A_1090 = arith.constant 0 : index
      %get3A_1091 = tpu.vector_load %arg9[%get3A_1089, %get3A_1090] {strides = array<i32>} : memref<10x16xf32, #tpu.memory_space<vmem>>, vector<1x16xf32>,
      %get3A_1092 = vector.shape_cast %get3A_1091 : vector<1x16xf32> to vector<16xf32>
      %mul3A_1093 = arith.constant 10 : i32
      %mul3A_1094 = arith.muli %scan3A_86, %mul3A_1093 : i32
      %add3A_1095 = arith.constant 4 : i32
      %add3A_1096 = arith.addi %mul3A_1094, %add3A_1095 : i32
      %get3A_1097 = arith.index_cast %add3A_1096 : i32 to index
      %get3A_1098 = arith.constant 96 : index
      %get3A_1099 = tpu.vector_load %arg7[%get3A_1097, %get3A_1098] {strides = array<i32>} : memref<320x128xf32, #tpu.memory_space<vmem>>, vector<1x16xf32>,
      %get3A_1100 = vector.shape_cast %get3A_1099 : vector<1x16xf32> to vector<16xf32>
      %mul3A_1101 = arith.mulf %get3A_1092, %get3A_1100 : vector<16xf32>
      %add3A_1102 = arith.addf %add3A_1087, %mul3A_1101 : vector<16xf32>
      %get3A_1103 = arith.constant 5 : i32
      %get3A_1104 = arith.index_cast %get3A_1103 : i32 to index
      %get3A_1105 = arith.constant 0 : index
      %get3A_1106 = tpu.vector_load %arg9[%get3A_1104, %get3A_1105] {strides = array<i32>} : memref<10x16xf32, #tpu.memory_space<vmem>>, vector<1x16xf32>,
      %get3A_1107 = vector.shape_cast %get3A_1106 : vector<1x16xf32> to vector<16xf32>
      %mul3A_1108 = arith.constant 10 : i32
      %mul3A_1109 = arith.muli %scan3A_86, %mul3A_1108 : i32
      %add3A_1110 = arith.constant 5 : i32
      %add3A_1111 = arith.addi %mul3A_1109, %add3A_1110 : i32
      %get3A_1112 = arith.index_cast %add3A_1111 : i32 to index
      %get3A_1113 = arith.constant 96 : index
      %get3A_1114 = tpu.vector_load %arg7[%get3A_1112, %get3A_1113] {strides = array<i32>} : memref<320x128xf32, #tpu.memory_space<vmem>>, vector<1x16xf32>,
      %get3A_1115 = vector.shape_cast %get3A_1114 : vector<1x16xf32> to vector<16xf32>
      %mul3A_1116 = arith.mulf %get3A_1107, %get3A_1115 : vector<16xf32>
      %add3A_1117 = arith.addf %add3A_1102, %mul3A_1116 : vector<16xf32>
      %get3A_1118 = arith.constant 6 : i32
      %get3A_1119 = arith.index_cast %get3A_1118 : i32 to index
      %get3A_1120 = arith.constant 0 : index
      %get3A_1121 = tpu.vector_load %arg9[%get3A_1119, %get3A_1120] {strides = array<i32>} : memref<10x16xf32, #tpu.memory_space<vmem>>, vector<1x16xf32>,
      %get3A_1122 = vector.shape_cast %get3A_1121 : vector<1x16xf32> to vector<16xf32>
      %mul3A_1123 = arith.constant 10 : i32
      %mul3A_1124 = arith.muli %scan3A_86, %mul3A_1123 : i32
      %add3A_1125 = arith.constant 6 : i32
      %add3A_1126 = arith.addi %mul3A_1124, %add3A_1125 : i32
      %get3A_1127 = arith.index_cast %add3A_1126 : i32 to index
      %get3A_1128 = arith.constant 96 : index
      %get3A_1129 = tpu.vector_load %arg7[%get3A_1127, %get3A_1128] {strides = array<i32>} : memref<320x128xf32, #tpu.memory_space<vmem>>, vector<1x16xf32>,
      %get3A_1130 = vector.shape_cast %get3A_1129 : vector<1x16xf32> to vector<16xf32>
      %mul3A_1131 = arith.mulf %get3A_1122, %get3A_1130 : vector<16xf32>
      %add3A_1132 = arith.addf %add3A_1117, %mul3A_1131 : vector<16xf32>
      %get3A_1133 = arith.constant 7 : i32
      %get3A_1134 = arith.index_cast %get3A_1133 : i32 to index
      %get3A_1135 = arith.constant 0 : index
      %get3A_1136 = tpu.vector_load %arg9[%get3A_1134, %get3A_1135] {strides = array<i32>} : memref<10x16xf32, #tpu.memory_space<vmem>>, vector<1x16xf32>,
      %get3A_1137 = vector.shape_cast %get3A_1136 : vector<1x16xf32> to vector<16xf32>
      %mul3A_1138 = arith.constant 10 : i32
      %mul3A_1139 = arith.muli %scan3A_86, %mul3A_1138 : i32
      %add3A_1140 = arith.constant 7 : i32
      %add3A_1141 = arith.addi %mul3A_1139, %add3A_1140 : i32
      %get3A_1142 = arith.index_cast %add3A_1141 : i32 to index
      %get3A_1143 = arith.constant 96 : index
      %get3A_1144 = tpu.vector_load %arg7[%get3A_1142, %get3A_1143] {strides = array<i32>} : memref<320x128xf32, #tpu.memory_space<vmem>>, vector<1x16xf32>,
      %get3A_1145 = vector.shape_cast %get3A_1144 : vector<1x16xf32> to vector<16xf32>
      %mul3A_1146 = arith.mulf %get3A_1137, %get3A_1145 : vector<16xf32>
      %add3A_1147 = arith.addf %add3A_1132, %mul3A_1146 : vector<16xf32>
      %get3A_1148 = arith.constant 8 : i32
      %get3A_1149 = arith.index_cast %get3A_1148 : i32 to index
      %get3A_1150 = arith.constant 0 : index
      %get3A_1151 = tpu.vector_load %arg9[%get3A_1149, %get3A_1150] {strides = array<i32>} : memref<10x16xf32, #tpu.memory_space<vmem>>, vector<1x16xf32>,
      %get3A_1152 = vector.shape_cast %get3A_1151 : vector<1x16xf32> to vector<16xf32>
      %mul3A_1153 = arith.constant 10 : i32
      %mul3A_1154 = arith.muli %scan3A_86, %mul3A_1153 : i32
      %add3A_1155 = arith.constant 8 : i32
      %add3A_1156 = arith.addi %mul3A_1154, %add3A_1155 : i32
      %get3A_1157 = arith.index_cast %add3A_1156 : i32 to index
      %get3A_1158 = arith.constant 96 : index
      %get3A_1159 = tpu.vector_load %arg7[%get3A_1157, %get3A_1158] {strides = array<i32>} : memref<320x128xf32, #tpu.memory_space<vmem>>, vector<1x16xf32>,
      %get3A_1160 = vector.shape_cast %get3A_1159 : vector<1x16xf32> to vector<16xf32>
      %mul3A_1161 = arith.mulf %get3A_1152, %get3A_1160 : vector<16xf32>
      %add3A_1162 = arith.addf %add3A_1147, %mul3A_1161 : vector<16xf32>
      %get3A_1163 = arith.constant 9 : i32
      %get3A_1164 = arith.index_cast %get3A_1163 : i32 to index
      %get3A_1165 = arith.constant 0 : index
      %get3A_1166 = tpu.vector_load %arg9[%get3A_1164, %get3A_1165] {strides = array<i32>} : memref<10x16xf32, #tpu.memory_space<vmem>>, vector<1x16xf32>,
      %get3A_1167 = vector.shape_cast %get3A_1166 : vector<1x16xf32> to vector<16xf32>
      %mul3A_1168 = arith.constant 10 : i32
      %mul3A_1169 = arith.muli %scan3A_86, %mul3A_1168 : i32
      %add3A_1170 = arith.constant 9 : i32
      %add3A_1171 = arith.addi %mul3A_1169, %add3A_1170 : i32
      %get3A_1172 = arith.index_cast %add3A_1171 : i32 to index
      %get3A_1173 = arith.constant 96 : index
      %get3A_1174 = tpu.vector_load %arg7[%get3A_1172, %get3A_1173] {strides = array<i32>} : memref<320x128xf32, #tpu.memory_space<vmem>>, vector<1x16xf32>,
      %get3A_1175 = vector.shape_cast %get3A_1174 : vector<1x16xf32> to vector<16xf32>
      %mul3A_1176 = arith.mulf %get3A_1167, %get3A_1175 : vector<16xf32>
      %add3A_1177 = arith.addf %add3A_1162, %mul3A_1176 : vector<16xf32>
      %swap3A_1178 = arith.index_cast %scan3A_86 : i32 to index
      %swap3A_1179 = arith.constant 96 : index
      %swap3A_1180 = tpu.vector_load %arg8[%swap3A_1178, %swap3A_1179] {strides = array<i32>} : memref<32x128xf32, #tpu.memory_space<vmem>>, vector<1x16xf32>,
      %swap3A_1181 = vector.shape_cast %swap3A_1180 : vector<1x16xf32> to vector<16xf32>
      %swap3A_1182 = vector.shape_cast %add3A_1177 : vector<16xf32> to vector<1x16xf32>
      tpu.vector_store %arg8[%swap3A_1178, %swap3A_1179], %swap3A_1182 {strides = array<i32>} : memref<32x128xf32, #tpu.memory_space<vmem>>, vector<1x16xf32>,
      %broadcast_in_dim3A_1183 = arith.constant 0.000000e+00 : f32
      %broadcast_in_dim3A_1184 = vector.broadcast %broadcast_in_dim3A_1183 : f32 to vector<16xf32>
      %get3A_1185 = arith.constant 0 : i32
      %get3A_1186 = arith.index_cast %get3A_1185 : i32 to index
      %get3A_1187 = arith.constant 0 : index
      %get3A_1188 = tpu.vector_load %arg9[%get3A_1186, %get3A_1187] {strides = array<i32>} : memref<10x16xf32, #tpu.memory_space<vmem>>, vector<1x16xf32>,
      %get3A_1189 = vector.shape_cast %get3A_1188 : vector<1x16xf32> to vector<16xf32>
      %mul3A_1190 = arith.constant 10 : i32
      %mul3A_1191 = arith.muli %scan3A_86, %mul3A_1190 : i32
      %add3A_1192 = arith.constant 0 : i32
      %add3A_1193 = arith.addi %mul3A_1191, %add3A_1192 : i32
      %get3A_1194 = arith.index_cast %add3A_1193 : i32 to index
      %get3A_1195 = arith.constant 112 : index
      %get3A_1196 = tpu.vector_load %arg7[%get3A_1194, %get3A_1195] {strides = array<i32>} : memref<320x128xf32, #tpu.memory_space<vmem>>, vector<1x16xf32>,
      %get3A_1197 = vector.shape_cast %get3A_1196 : vector<1x16xf32> to vector<16xf32>
      %mul3A_1198 = arith.mulf %get3A_1189, %get3A_1197 : vector<16xf32>
      %add3A_1199 = arith.addf %broadcast_in_dim3A_1184, %mul3A_1198 : vector<16xf32>
      %get3A_1200 = arith.constant 1 : i32
      %get3A_1201 = arith.index_cast %get3A_1200 : i32 to index
      %get3A_1202 = arith.constant 0 : index
      %get3A_1203 = tpu.vector_load %arg9[%get3A_1201, %get3A_1202] {strides = array<i32>} : memref<10x16xf32, #tpu.memory_space<vmem>>, vector<1x16xf32>,
      %get3A_1204 = vector.shape_cast %get3A_1203 : vector<1x16xf32> to vector<16xf32>
      %mul3A_1205 = arith.constant 10 : i32
      %mul3A_1206 = arith.muli %scan3A_86, %mul3A_1205 : i32
      %add3A_1207 = arith.constant 1 : i32
      %add3A_1208 = arith.addi %mul3A_1206, %add3A_1207 : i32
      %get3A_1209 = arith.index_cast %add3A_1208 : i32 to index
      %get3A_1210 = arith.constant 112 : index
      %get3A_1211 = tpu.vector_load %arg7[%get3A_1209, %get3A_1210] {strides = array<i32>} : memref<320x128xf32, #tpu.memory_space<vmem>>, vector<1x16xf32>,
      %get3A_1212 = vector.shape_cast %get3A_1211 : vector<1x16xf32> to vector<16xf32>
      %mul3A_1213 = arith.mulf %get3A_1204, %get3A_1212 : vector<16xf32>
      %add3A_1214 = arith.addf %add3A_1199, %mul3A_1213 : vector<16xf32>
      %get3A_1215 = arith.constant 2 : i32
      %get3A_1216 = arith.index_cast %get3A_1215 : i32 to index
      %get3A_1217 = arith.constant 0 : index
      %get3A_1218 = tpu.vector_load %arg9[%get3A_1216, %get3A_1217] {strides = array<i32>} : memref<10x16xf32, #tpu.memory_space<vmem>>, vector<1x16xf32>,
      %get3A_1219 = vector.shape_cast %get3A_1218 : vector<1x16xf32> to vector<16xf32>
      %mul3A_1220 = arith.constant 10 : i32
      %mul3A_1221 = arith.muli %scan3A_86, %mul3A_1220 : i32
      %add3A_1222 = arith.constant 2 : i32
      %add3A_1223 = arith.addi %mul3A_1221, %add3A_1222 : i32
      %get3A_1224 = arith.index_cast %add3A_1223 : i32 to index
      %get3A_1225 = arith.constant 112 : index
      %get3A_1226 = tpu.vector_load %arg7[%get3A_1224, %get3A_1225] {strides = array<i32>} : memref<320x128xf32, #tpu.memory_space<vmem>>, vector<1x16xf32>,
      %get3A_1227 = vector.shape_cast %get3A_1226 : vector<1x16xf32> to vector<16xf32>
      %mul3A_1228 = arith.mulf %get3A_1219, %get3A_1227 : vector<16xf32>
      %add3A_1229 = arith.addf %add3A_1214, %mul3A_1228 : vector<16xf32>
      %get3A_1230 = arith.constant 3 : i32
      %get3A_1231 = arith.index_cast %get3A_1230 : i32 to index
      %get3A_1232 = arith.constant 0 : index
      %get3A_1233 = tpu.vector_load %arg9[%get3A_1231, %get3A_1232] {strides = array<i32>} : memref<10x16xf32, #tpu.memory_space<vmem>>, vector<1x16xf32>,
      %get3A_1234 = vector.shape_cast %get3A_1233 : vector<1x16xf32> to vector<16xf32>
      %mul3A_1235 = arith.constant 10 : i32
      %mul3A_1236 = arith.muli %scan3A_86, %mul3A_1235 : i32
      %add3A_1237 = arith.constant 3 : i32
      %add3A_1238 = arith.addi %mul3A_1236, %add3A_1237 : i32
      %get3A_1239 = arith.index_cast %add3A_1238 : i32 to index
      %get3A_1240 = arith.constant 112 : index
      %get3A_1241 = tpu.vector_load %arg7[%get3A_1239, %get3A_1240] {strides = array<i32>} : memref<320x128xf32, #tpu.memory_space<vmem>>, vector<1x16xf32>,
      %get3A_1242 = vector.shape_cast %get3A_1241 : vector<1x16xf32> to vector<16xf32>
      %mul3A_1243 = arith.mulf %get3A_1234, %get3A_1242 : vector<16xf32>
      %add3A_1244 = arith.addf %add3A_1229, %mul3A_1243 : vector<16xf32>
      %get3A_1245 = arith.constant 4 : i32
      %get3A_1246 = arith.index_cast %get3A_1245 : i32 to index
      %get3A_1247 = arith.constant 0 : index
      %get3A_1248 = tpu.vector_load %arg9[%get3A_1246, %get3A_1247] {strides = array<i32>} : memref<10x16xf32, #tpu.memory_space<vmem>>, vector<1x16xf32>,
      %get3A_1249 = vector.shape_cast %get3A_1248 : vector<1x16xf32> to vector<16xf32>
      %mul3A_1250 = arith.constant 10 : i32
      %mul3A_1251 = arith.muli %scan3A_86, %mul3A_1250 : i32
      %add3A_1252 = arith.constant 4 : i32
      %add3A_1253 = arith.addi %mul3A_1251, %add3A_1252 : i32
      %get3A_1254 = arith.index_cast %add3A_1253 : i32 to index
      %get3A_1255 = arith.constant 112 : index
      %get3A_1256 = tpu.vector_load %arg7[%get3A_1254, %get3A_1255] {strides = array<i32>} : memref<320x128xf32, #tpu.memory_space<vmem>>, vector<1x16xf32>,
      %get3A_1257 = vector.shape_cast %get3A_1256 : vector<1x16xf32> to vector<16xf32>
      %mul3A_1258 = arith.mulf %get3A_1249, %get3A_1257 : vector<16xf32>
      %add3A_1259 = arith.addf %add3A_1244, %mul3A_1258 : vector<16xf32>
      %get3A_1260 = arith.constant 5 : i32
      %get3A_1261 = arith.index_cast %get3A_1260 : i32 to index
      %get3A_1262 = arith.constant 0 : index
      %get3A_1263 = tpu.vector_load %arg9[%get3A_1261, %get3A_1262] {strides = array<i32>} : memref<10x16xf32, #tpu.memory_space<vmem>>, vector<1x16xf32>,
      %get3A_1264 = vector.shape_cast %get3A_1263 : vector<1x16xf32> to vector<16xf32>
      %mul3A_1265 = arith.constant 10 : i32
      %mul3A_1266 = arith.muli %scan3A_86, %mul3A_1265 : i32
      %add3A_1267 = arith.constant 5 : i32
      %add3A_1268 = arith.addi %mul3A_1266, %add3A_1267 : i32
      %get3A_1269 = arith.index_cast %add3A_1268 : i32 to index
      %get3A_1270 = arith.constant 112 : index
      %get3A_1271 = tpu.vector_load %arg7[%get3A_1269, %get3A_1270] {strides = array<i32>} : memref<320x128xf32, #tpu.memory_space<vmem>>, vector<1x16xf32>,
      %get3A_1272 = vector.shape_cast %get3A_1271 : vector<1x16xf32> to vector<16xf32>
      %mul3A_1273 = arith.mulf %get3A_1264, %get3A_1272 : vector<16xf32>
      %add3A_1274 = arith.addf %add3A_1259, %mul3A_1273 : vector<16xf32>
      %get3A_1275 = arith.constant 6 : i32
      %get3A_1276 = arith.index_cast %get3A_1275 : i32 to index
      %get3A_1277 = arith.constant 0 : index
      %get3A_1278 = tpu.vector_load %arg9[%get3A_1276, %get3A_1277] {strides = array<i32>} : memref<10x16xf32, #tpu.memory_space<vmem>>, vector<1x16xf32>,
      %get3A_1279 = vector.shape_cast %get3A_1278 : vector<1x16xf32> to vector<16xf32>
      %mul3A_1280 = arith.constant 10 : i32
      %mul3A_1281 = arith.muli %scan3A_86, %mul3A_1280 : i32
      %add3A_1282 = arith.constant 6 : i32
      %add3A_1283 = arith.addi %mul3A_1281, %add3A_1282 : i32
      %get3A_1284 = arith.index_cast %add3A_1283 : i32 to index
      %get3A_1285 = arith.constant 112 : index
      %get3A_1286 = tpu.vector_load %arg7[%get3A_1284, %get3A_1285] {strides = array<i32>} : memref<320x128xf32, #tpu.memory_space<vmem>>, vector<1x16xf32>,
      %get3A_1287 = vector.shape_cast %get3A_1286 : vector<1x16xf32> to vector<16xf32>
      %mul3A_1288 = arith.mulf %get3A_1279, %get3A_1287 : vector<16xf32>
      %add3A_1289 = arith.addf %add3A_1274, %mul3A_1288 : vector<16xf32>
      %get3A_1290 = arith.constant 7 : i32
      %get3A_1291 = arith.index_cast %get3A_1290 : i32 to index
      %get3A_1292 = arith.constant 0 : index
      %get3A_1293 = tpu.vector_load %arg9[%get3A_1291, %get3A_1292] {strides = array<i32>} : memref<10x16xf32, #tpu.memory_space<vmem>>, vector<1x16xf32>,
      %get3A_1294 = vector.shape_cast %get3A_1293 : vector<1x16xf32> to vector<16xf32>
      %mul3A_1295 = arith.constant 10 : i32
      %mul3A_1296 = arith.muli %scan3A_86, %mul3A_1295 : i32
      %add3A_1297 = arith.constant 7 : i32
      %add3A_1298 = arith.addi %mul3A_1296, %add3A_1297 : i32
      %get3A_1299 = arith.index_cast %add3A_1298 : i32 to index
      %get3A_1300 = arith.constant 112 : index
      %get3A_1301 = tpu.vector_load %arg7[%get3A_1299, %get3A_1300] {strides = array<i32>} : memref<320x128xf32, #tpu.memory_space<vmem>>, vector<1x16xf32>,
      %get3A_1302 = vector.shape_cast %get3A_1301 : vector<1x16xf32> to vector<16xf32>
      %mul3A_1303 = arith.mulf %get3A_1294, %get3A_1302 : vector<16xf32>
      %add3A_1304 = arith.addf %add3A_1289, %mul3A_1303 : vector<16xf32>
      %get3A_1305 = arith.constant 8 : i32
      %get3A_1306 = arith.index_cast %get3A_1305 : i32 to index
      %get3A_1307 = arith.constant 0 : index
      %get3A_1308 = tpu.vector_load %arg9[%get3A_1306, %get3A_1307] {strides = array<i32>} : memref<10x16xf32, #tpu.memory_space<vmem>>, vector<1x16xf32>,
      %get3A_1309 = vector.shape_cast %get3A_1308 : vector<1x16xf32> to vector<16xf32>
      %mul3A_1310 = arith.constant 10 : i32
      %mul3A_1311 = arith.muli %scan3A_86, %mul3A_1310 : i32
      %add3A_1312 = arith.constant 8 : i32
      %add3A_1313 = arith.addi %mul3A_1311, %add3A_1312 : i32
      %get3A_1314 = arith.index_cast %add3A_1313 : i32 to index
      %get3A_1315 = arith.constant 112 : index
      %get3A_1316 = tpu.vector_load %arg7[%get3A_1314, %get3A_1315] {strides = array<i32>} : memref<320x128xf32, #tpu.memory_space<vmem>>, vector<1x16xf32>,
      %get3A_1317 = vector.shape_cast %get3A_1316 : vector<1x16xf32> to vector<16xf32>
      %mul3A_1318 = arith.mulf %get3A_1309, %get3A_1317 : vector<16xf32>
      %add3A_1319 = arith.addf %add3A_1304, %mul3A_1318 : vector<16xf32>
      %get3A_1320 = arith.constant 9 : i32
      %get3A_1321 = arith.index_cast %get3A_1320 : i32 to index
      %get3A_1322 = arith.constant 0 : index
      %get3A_1323 = tpu.vector_load %arg9[%get3A_1321, %get3A_1322] {strides = array<i32>} : memref<10x16xf32, #tpu.memory_space<vmem>>, vector<1x16xf32>,
      %get3A_1324 = vector.shape_cast %get3A_1323 : vector<1x16xf32> to vector<16xf32>
      %mul3A_1325 = arith.constant 10 : i32
      %mul3A_1326 = arith.muli %scan3A_86, %mul3A_1325 : i32
      %add3A_1327 = arith.constant 9 : i32
      %add3A_1328 = arith.addi %mul3A_1326, %add3A_1327 : i32
      %get3A_1329 = arith.index_cast %add3A_1328 : i32 to index
      %get3A_1330 = arith.constant 112 : index
      %get3A_1331 = tpu.vector_load %arg7[%get3A_1329, %get3A_1330] {strides = array<i32>} : memref<320x128xf32, #tpu.memory_space<vmem>>, vector<1x16xf32>,
      %get3A_1332 = vector.shape_cast %get3A_1331 : vector<1x16xf32> to vector<16xf32>
      %mul3A_1333 = arith.mulf %get3A_1324, %get3A_1332 : vector<16xf32>
      %add3A_1334 = arith.addf %add3A_1319, %mul3A_1333 : vector<16xf32>
      %swap3A_1335 = arith.index_cast %scan3A_86 : i32 to index
      %swap3A_1336 = arith.constant 112 : index
      %swap3A_1337 = tpu.vector_load %arg8[%swap3A_1335, %swap3A_1336] {strides = array<i32>} : memref<32x128xf32, #tpu.memory_space<vmem>>, vector<1x16xf32>,
      %swap3A_1338 = vector.shape_cast %swap3A_1337 : vector<1x16xf32> to vector<16xf32>
      %swap3A_1339 = vector.shape_cast %add3A_1334 : vector<16xf32> to vector<1x16xf32>
      tpu.vector_store %arg8[%swap3A_1335, %swap3A_1336], %swap3A_1339 {strides = array<i32>} : memref<32x128xf32, #tpu.memory_space<vmem>>, vector<1x16xf32>,
    }
    %scan3A_83 = arith.constant 32 : i32
    %mul3A_84 = arith.constant 32 : i32
    %mul3A_85 = arith.muli %add3A, %mul3A_84 : i32
    "tpu.region"() ({
      %run_scoped3A = tpu.sem_alloc : memref<!tpu.dma_semaphore, #tpu.memory_space<semaphore_mem>>
      %dma_start3A_86 = arith.constant 0 : i32
      %dma_start3A_87 = tpu.memref_slice %arg5[%mul3A_85, %dma_start3A_86] : memref<1024x128xf32, #tpu.memory_space<hbm>> -> memref<32x128xf32, #tpu.memory_space<hbm>>
      %dma_start3A_88 = arith.constant 0 : i32
      %dma_start3A_89 = tpu.memref_slice %arg5[%mul3A_85, %dma_start3A_88] : memref<1024x128xf32, #tpu.memory_space<hbm>> -> memref<32x128xf32, #tpu.memory_space<hbm>>
      tpu.enqueue_dma source(%arg8 : memref<32x128xf32, #tpu.memory_space<vmem>>) target(%dma_start3A_89 : memref<32x128xf32, #tpu.memory_space<hbm>>) target_semaphore(%run_scoped3A : memref<!tpu.dma_semaphore, #tpu.memory_space<semaphore_mem>>)
      %dma_wait3A_90 = arith.constant 0 : i32
      %dma_wait3A_91 = tpu.memref_slice %arg5[%mul3A_85, %dma_wait3A_90] : memref<1024x128xf32, #tpu.memory_space<hbm>> -> memref<32x128xf32, #tpu.memory_space<hbm>>
      %dma_wait3A_92 = arith.constant 0 : i32
      %dma_wait3A_93 = tpu.memref_slice %arg5[%mul3A_85, %dma_wait3A_92] : memref<1024x128xf32, #tpu.memory_space<hbm>> -> memref<32x128xf32, #tpu.memory_space<hbm>>
      tpu.wait_dma2 semaphore(%run_scoped3A : memref<!tpu.dma_semaphore, #tpu.memory_space<semaphore_mem>>) src(%arg8 : memref<32x128xf32, #tpu.memory_space<vmem>>) dst(%dma_wait3A_93 : memref<32x128xf32, #tpu.memory_space<hbm>>)
      tpu.yield
    }) : () -> ()
    return
  }
}

module attributes {stable_mosaic.version = 14 : i64} {
  func.func @_mm_body(%arg0: i32, %arg1: memref<1024x128xf32, #tpu.memory_space<vmem>>, %arg2: memref<4096x128xf32, #tpu.memory_space<vmem>>, %arg3: memref<1024x4096xbf16, #tpu.memory_space<vmem>>) attributes {dimension_semantics = [#tpu.dimension_semantics<arbitrary>], iteration_bounds = array<i64: 25>, scalar_prefetch = 0 : i64, scratch_operands = 0 : i64, tpu.core_type = #tpu.core_type<tc>, window_params = [{pipeline_mode = #tpu.pipeline_mode<synchronous>, transform_indices = @transform_0, window_bounds = array<i64: 1024, 128>}, {transform_indices = @transform_1, window_bounds = array<i64: 4096, 128>}, {transform_indices = @transform_2, window_bounds = array<i64: 1024, 4096>}]} {
    %get3A = arith.constant 0 : index
    %get3A_0 = arith.constant 0 : index
    %get3A_1 = vector.load %arg1[%get3A, %get3A_0] : memref<1024x128xf32, #tpu.memory_space<vmem>>, vector<1024x128xf32>
    %get3A_2 = arith.constant 0 : index
    %get3A_3 = arith.constant 0 : index
    %get3A_4 = vector.load %arg2[%get3A_2, %get3A_3] : memref<4096x128xf32, #tpu.memory_space<vmem>>, vector<4096x128xf32>
    %dot_general3A = arith.constant dense<0.000000e+00> : vector<1024x4096xf32>
    %dot_general3A_5 = tpu.matmul %get3A_1, %get3A_4, %dot_general3A {dimension_numbers = #tpu.dot_dimension_numbers<[1], [1], [0], [0], [0, 0, 1, 0], [], []>, transpose_lhs_hint = false} : vector<1024x128xf32>, vector<4096x128xf32>, vector<1024x4096xf32> -> vector<1024x4096xf32>
    %convert_element_type3A = arith.truncf %dot_general3A_5 : vector<1024x4096xf32> to vector<1024x4096xbf16>
    %swap3A = arith.constant 0 : index
    %swap3A_6 = arith.constant 0 : index
    %swap3A_7 = vector.load %arg3[%swap3A, %swap3A_6] : memref<1024x4096xbf16, #tpu.memory_space<vmem>>, vector<1024x4096xbf16>
    tpu.vector_store %arg3[%swap3A, %swap3A_6], %convert_element_type3A {strides = array<i32>} : memref<1024x4096xbf16, #tpu.memory_space<vmem>>, vector<1024x4096xbf16>,
    return
  }
  func.func @transform_0(%arg0: i32) -> (i32, i32) {
    %c0_i32 = arith.constant 0 : i32
    %c0_i32_0 = arith.constant 0 : i32
    %c0_i32_1 = arith.constant 0 : i32
    return %c0_i32, %c0_i32_0 : i32, i32
  }
  func.func @transform_1(%arg0: i32) -> (i32, i32) {
    %c0_i32 = arith.constant 0 : i32
    %c0_i32_0 = arith.constant 0 : i32
    return %arg0, %c0_i32 : i32, i32
  }
  func.func @transform_2(%arg0: i32) -> (i32, i32) {
    %c0_i32 = arith.constant 0 : i32
    %c0_i32_0 = arith.constant 0 : i32
    return %c0_i32, %arg0 : i32, i32
  }
}

</mosaic_0001>

<sc_bundles>
// kernel: kernel.4.cloned.1.call-start
scs
__scs_entry_jumppad:
0x0: {  	(pc) =	sbr.rel $0x88, $3  }
0x1: {  	(tag) =	ssettag $0x0;
	lr =	simm.s32 $0x1  }
0x2: {  	[smem:$0x3F9D] =	sst lr;
	_ =	strace $0xD0000000  }
0x3: {  	_ = 	snop  }
0x4: {  	_ = 	snop  }
0x5: {  	_ = 	snop  }
0x6: {  	_ = 	snop  }
0x7: {  	_ = 	snop  }
__scs_overlays_trampoline_lowered:
0x8: {  	[smem:$0x3FAC] =	sst s0  }
0x9: {  	[smem:$0x3FAD] =	sst s1  }
0xa: {  	[smem:$0x3FAE] =	sst s2  }
0xb: {  	[smem:$0x3FAF] =	sst s3  }
0xc: {  	[smem:$0x3FB0] =	sst s4  }
0xd: {  	[smem:$0x3FB1] =	sst s5  }
0xe: {  	[smem:$0x3FB2] =	sst s6  }
0xf: {  	[smem:$0x3FB3] =	sst s7  }
0x10: {  	[smem:$0x3FB4] =	sst s8  }
0x11: {  	[smem:$0x3FB5] =	sst s9;
	s0 =	simm.s32 @!p0 $0x0  }
0x12: {  	s1 =	sld [smem:$0x3F9B];
	s0 =	simm.s32 @p0 $0x1  }
0x13: {  	[smem:$0x3FB6] =	sst s0;
	s0 =	simm.s32 @!p1 $0x0  }
0x14: {  	s2 =	sld [smem:$0x3F9A];
	s0 =	simm.s32 @p1 $0x1  }
0x15: {  	[smem:$0x3FB7] =	sst s0;
	s0 =	simm.s32 @!p2 $0x0  }
0x16: {  	s3 =	sld [smem:$0x3FDB];
	s0 =	simm.s32 @p2 $0x1  }
0x17: {  	s4 =	simm.s32 $0x1BF5;
	[smem:$0x3FB9] =	sst s0  }
0x18: {  	s0 =	sld [smem:$0x3F9C];
	_ =	swait.ge [sflag:s4], $0x0  }
0x19: {  	s7 =	sld [smem:$0x3F9D]  }
0x1a: {  	s8 =	sadd.s32 $0xFFFFE003, lr  }
0x1b: {  	s9 =	sadd.s32 $0xFFFFFEF7, lr;
	s5 =	simm.s32 $0xFFFFFFFF;
	p2 =	slt.u32 s8, $0xFFFFF086  }
0x1c: {  	p1 =	slt.u32 s9, $0xF7A;
	s5 =	simm.s32 @!p2 $0x0  }
0x1d: {  	s5 =	simm.s32 @p1 $0x1;
	p0 =	seq.s32 s7, s2  }
0x1e: {  	s7 =	smul.u32 @!p0 $0xF7A, s2;
	p2 =	seq.s32 @!p0 s5, $0x0  }
0x1f: {  	s9 =	smul.u32 $0xF7A, s1;
	s8 =	simm.s32 @!p0 $0x1BF5;
	p2 =	por !p2, p0  }
0x20: {  	[sflag:s8] =	ssyncset.s32 @!p0 $0xFFFFF086;
	s6 =	sadd.s32 @!p0 s3, s7;
	s7 =	simm.s32 @!p0 $0x108  }
0x21: {  	s3 =	sadd.s32 s3, s9;
	s6 =	sadd.s32 @!p0 $0x88, s6;
	s7 =	simm.s32 @p2 $0x1082  }
0x22: {  	[simem:s7], [sflag:s8] =	dma.local @!p0 [hbm:s6], $0xF7A  }
0x23: {  	s9 =	sor.u32 $0xD0000000, s2;
	s6 =	simm.s32 $0x108;
	_ =	swait.ge @!p0 [sflag:s8], $0x0  }
0x24: {  	s3 =	sadd.s32 $0x88, s3;
	s6 =	simm.s32 @!p1 $0x1082;
	[sflag:s4] =	ssyncset.s32 $0xFFFFF086  }
0x25: {  	[simem:s6], [sflag:s4] =	dma.local [hbm:s3], $0xF7A  }
0x26: {  	[smem:$0x3F9D] =	sst s1;
	(tag) =	ssettag s2;
	_ =	strace s9  }
0x27: {  	s1 =	sld [smem:$0x3FAD]  }
0x28: {  	s2 =	sld [smem:$0x3FAE]  }
0x29: {  	s4 =	sld [smem:$0x3FB0]  }
0x2a: {  	p0 =	seq.s32 s5, $0x0;
	s5 =	sld [smem:$0x3FB1]  }
0x2b: {  	s6 =	sld [smem:$0x3FB2]  }
0x2c: {  	s7 =	sld [smem:$0x3FB3]  }
0x2d: {  	s3 =	simm.s32 $0x108;
	s8 =	sld [smem:$0x3FB4]  }
0x2e: {  	s3 =	simm.s32 @!p0 $0x1082;
	s9 =	sld [smem:$0x3FB5]  }
0x2f: {  	lr =	sadd.s32 s0, s3;
	s0 =	sld [smem:$0x3FAC]  }
0x30: {  	s3 =	sld [smem:$0x3FAF]  }
0x31: {  	[smem:$0x3FB8] =	sst s10  }
0x32: {  	s10 =	sld [smem:$0x3FB6];
	_ =	sdelay $0x3  }
0x33: {  	p0 =	seq.s32 s10, $0x1;
	s10 =	sld [smem:$0x3FB8];
	_ =	sdelay $0x3  }
0x34: {  	[smem:$0x3FB8] =	sst s10  }
0x35: {  	s10 =	sld [smem:$0x3FB7];
	_ =	sdelay $0x3  }
0x36: {  	p1 =	seq.s32 s10, $0x1;
	s10 =	sld [smem:$0x3FB8];
	_ =	sdelay $0x3  }
0x37: {  	[smem:$0x3FB8] =	sst s10  }
0x38: {  	s10 =	sld [smem:$0x3FB9]  }
0x39: {  	_ = 	snop;
	(pc) =	sbr.ind lr, $3  }
0x3a: {  	_ = 	snop  }
0x3b: {  	_ = 	snop  }
0x3c: {  	p2 =	seq.s32 s10, $0x1;
	s10 =	sld [smem:$0x3FB8]  }
0x3d: {  	_ =	shalt  }
0x3e: {  	_ =	shalt  }
0x3f: {  	_ =	shalt  }
0x40: {  	_ =	shalt  }
0x41: {  	_ =	shalt  }
0x42: {  	_ =	shalt  }
0x43: {  	_ =	shalt  }
0x44: {  	_ =	shalt  }
0x45: {  	_ =	shalt  }
0x46: {  	_ =	shalt  }
0x47: {  	_ =	shalt  }
0x48: {  	_ =	shalt  }
0x49: {  	_ =	shalt  }
0x4a: {  	_ =	shalt  }
0x4b: {  	_ =	shalt  }
0x4c: {  	_ =	shalt  }
0x4d: {  	_ =	shalt  }
0x4e: {  	_ =	shalt  }
0x4f: {  	_ =	shalt  }
0x50: {  	_ =	shalt  }
0x51: {  	_ =	shalt  }
0x52: {  	_ =	shalt  }
0x53: {  	_ =	shalt  }
0x54: {  	_ =	shalt  }
0x55: {  	_ =	shalt  }
0x56: {  	_ =	shalt  }
0x57: {  	_ =	shalt  }
0x58: {  	_ =	shalt  }
0x59: {  	_ =	shalt  }
0x5a: {  	_ =	shalt  }
0x5b: {  	_ =	shalt  }
0x5c: {  	_ =	shalt  }
0x5d: {  	_ =	shalt  }
0x5e: {  	_ =	shalt  }
0x5f: {  	_ =	shalt  }
0x60: {  	_ =	shalt  }
0x61: {  	_ =	shalt  }
0x62: {  	_ =	shalt  }
0x63: {  	_ =	shalt  }
0x64: {  	_ =	shalt  }
0x65: {  	_ =	shalt  }
0x66: {  	_ =	shalt  }
0x67: {  	_ =	shalt  }
0x68: {  	_ =	shalt  }
0x69: {  	_ =	shalt  }
0x6a: {  	_ =	shalt  }
0x6b: {  	_ =	shalt  }
0x6c: {  	_ =	shalt  }
0x6d: {  	_ =	shalt  }
0x6e: {  	_ =	shalt  }
0x6f: {  	_ =	shalt  }
0x70: {  	_ =	shalt  }
0x71: {  	_ =	shalt  }
0x72: {  	_ =	shalt  }
0x73: {  	_ =	shalt  }
0x74: {  	_ =	shalt  }
0x75: {  	_ =	shalt  }
0x76: {  	_ =	shalt  }
0x77: {  	_ =	shalt  }
0x78: {  	_ =	shalt  }
0x79: {  	_ =	shalt  }
0x7a: {  	_ =	shalt  }
0x7b: {  	_ =	shalt  }
0x7c: {  	_ =	shalt  }
0x7d: {  	_ =	shalt  }
0x7e: {  	_ =	shalt  }
0x7f: {  	_ =	shalt  }
0x80: {  	_ =	shalt  }
0x81: {  	_ =	shalt  }
0x82: {  	_ =	shalt  }
0x83: {  	_ =	shalt  }
0x84: {  	_ =	shalt  }
0x85: {  	_ =	shalt  }
0x86: {  	_ =	shalt  }
0x87: {  	_ =	shalt  }
.Lfunc_end0:
.L_simem_size_0:
called_computation_lowered:
.L_overlay_start_0:
0x88: {  	s2 =	sld [smem:$0x3FD9]  }
0x89: {  	s3 =	sld [smem:$0x3FFE];
	_ =	sdelay $0x1  }
0x8a: {  	s1 =	srdreg.scid  }
0x8b: {  	s0 =	sand.u32 $0x1, s1  }
0x8c: {  	s17 =	sshll.u32 s0, $0xA;
	s2 =	sadd.s32 s3, s2  }
0x8d: {  	s2 =	sadd.s32 s2, s17  }
0x8e: {  	[smem:$0x3FC4] =	sst s2  }
0x8f: {  	_ = 	snop  }
0x90: {  	s2 =	sld [smem:$0x3FC8]  }
0x91: {  	s18 =	sld [smem:$0x3FD0];
	(tm) =	ssettm $0x1  }
0x92: {  	s4 =	sld [smem:$0x3FFB];
	_ =	sdelay $0x3  }
0x93: {  	_ =	strace s4  }
0x94: {  	s4 =	sld [smem:$0x3FFC];
	_ =	sdelay $0x3  }
0x95: {  	_ =	strace s4  }
0x96: {  	s4 =	sld [smem:$0x3FFD];
	_ =	sdelay $0x3  }
0x97: {  	_ =	strace s4  }
0x98: {  	_ =	strace $0x8FFFFFFF  }
0x99: {  	s19 =	sld [smem:$0x3FDB];
	_ =	sdelay $0x1  }
0x9a: {  	s5 =	simm.s32 $_scs_section_size  }
0x9b: {  	s6 =	simm.s32 $_size__tile_overlayer_lowered;
	s7 =	simm.s32 $_tile_overlayer_lowered  }
0x9c: {  	s22 =	simm.s32 $0x1BFF;
	s21 =	sshll.u32 s7, $0x1;
	s4 =	sadd.s32 s5, s19  }
0x9d: {  	s8 =	simm.s32 $0x0;
	s20 =	sshll.u32 s6, $0x1;
	s6 =	sadd.s32 s21, s4  }
0x9e: {  	[timem:s8], [sflag:s22] =	dma.local [hbm:s6], s20  }
0x9f: {  	_ =	swait.ge [sflag:s22], s20  }
0xa0: {  	s5 =	ssub.s32 $0x0, s20;
	[sflag:s22] =	ssyncset.done $0x0  }
0xa1: {  	[sflag:s22] =	ssyncadd.s32 s5;
	_ =	sdelay $0x1  }
0xa2: {  	s23 =	simm.s32 $0x1B8B  }
0xa3: {  	_ =	swait.ge [sflag:s23], $0x1  }
0xa4: {  	[sflag:s23] =	ssyncset.done $0x0  }
0xa5: {  	s25 =	simm.s32 $0x1B8E;
	s24 =	sld [smem:$0x3FFE];
	[sflag:s23] =	ssyncadd.s32 $0xFFFFFFFF  }
0xa6: {  	s26 =	simm.s32 $execute0_lowered;
	[smem:$0x3FD2] =	sst s25  }
0xa7: {  	s6 =	sshll.u32 s26, $0x1;
	_ =	strace $0x80000046;
	[dreg:$0x1] =	wrdreg $0xFFFFFFFF  }
0xa8: {  	s28 =	simm.s32 $_size_execute0_lowered;
	s4 =	sadd.s32 s4, s6;
	[dreg:$0x0] =	wrdreg $0x0  }
0xa9: {  	s6 =	sshll.u32 s28, $0x1;
	[dreg:$0x2] =	wrdreg s4  }
0xaa: {  	[dreg:$0x3] =	wrdreg s6  }
0xab: {  	[dreg:$0x4] =	wrdreg $0xC0  }
0xac: {  	_ =	task [dreg:s8], $0x5FFFF  }
0xad: {  	[dreg:$0x1] =	wrdreg $0xFFFFFFFF  }
0xae: {  	[dreg:$0x0] =	wrdreg $0x60  }
0xaf: {  	[dreg:$0x2] =	wrdreg s24  }
0xb0: {  	[dreg:$0x3] =	wrdreg s2  }
0xb1: {  	[dreg:$0x4] =	wrdreg s18  }
0xb2: {  	[dreg:$0x5] =	wrdreg $0x9  }
0xb3: {  	_ =	task.clear_ibuf [dreg:s8], $0x6FFFF;
	_ =	strace $0x90000046  }
0xb4: {  	s29 =	simm.s32 $0x9;
	_ =	strace $0x80000048  }
0xb5: {  	_ =	swait.ge [sflag:s29], $0x1  }
0xb6: {  	[sflag:s29] =	ssyncadd.s32 $0xFFFFFFFF  }
0xb7: {  	_ =	strace $0x90000048  }
0xb8: {  	_ =	sfence  }
0xb9: {  	s30 =	sld [smem:$0x0];
	_ =	sdelay $0x2  }
0xba: {  	s31 =	sshll.u32 s1, $0xD;
	s1 =	sshrl.u32 s1, $0x2  }
0xbb: {  	s3 =	sand.u32 $0x4000, s31;
	s1 =	sadd.s32 s1, s30  }
0xbc: {  	s0 =	sor.u32 s3, s0;
	s1 =	sshll.u32 s1, $0x11  }
0xbd: {  	s0 =	sor.u32 s1, s0  }
0xbe: {  	s0 =	sadd.s32 $0x8F2B, s0  }
0xbf: {  	[sflag:s0] =	ssyncadd.remote.s32 $0x1  }
0xc0: {  	_ =	sfence.sel $0xFFFF  }
0xc1: {  	[dreg:$0x0] =	wrdreg $0xFFFFFFFF;
	(pc) =	sbr.abs _section_cstart, $3  }
0xc2: {  	[dreg:$0x1] =	wrdreg $0xFFFFFFFF  }
0xc3: {  	_ =	task.clear_ibuf [dreg:s8], $0x2FFFF;
	_ =	strace $0x9FFFFFFF  }
0xc4: {  	(tm) =	ssettm $0x7FFFFFFF  }
0xc5: {  	_ =	shalt  }
tec
execute0_lowered:
.L_overlay_start_1:
0x0: {  	(tag) =	ssettag $0x1  }
0x1: {  	s4 =	rddreg [dreg:$0x0]  }
0x2: {  	s2 =	rddreg [dreg:$0x1]  }
0x3: {  	s6 =	rddreg [dreg:$0x2]  }
0x4: {  	s0 =	rddreg [dreg:$0x3];
	s5 =	srdreg.scid  }
0x5: {  	s1 =	stileid.u32;
	s3 =	simm.s32 $0x0;
	s10 =	simm.s32 $0x50  }
0x6: {  	s11 =	simm.s32 $0x200;
	s12 =	simm.s32 $0x80;
	s13 =	simm.s32 $0x2A00  }
0x7: {  	s14 =	simm.s32 $0x100;
	s15 =	simm.s32 $0x5200;
	s16 =	simm.s32 $0x180  }
0x8: {  	s17 =	simm.s32 $0x7A00;
	s18 =	simm.s32 $0x1;
	s19 =	simm.s32 $0xA200  }
0x9: {  	s20 =	simm.s32 $0x0;
	s5 =	sand.u32 $0x1, s5;
	s7 =	sshll.u32 s1, $0x1  }
0xa: {  	[smem:$0x7FF] =	sst s3;
	s7 =	sor.u32 s5, s7;
	s5 =	ssub.s32 $0x2, s5  }
0xb: {  	_ =	strace $0x80000047;
	s8 =	sshll.u32 s7, $0x6;
	s9 =	sshrl.u32 s5, $0x1  }
0xc: {  	s7 =	sshll.u32 s7, $0x9;
	s8 =	sadd.s32 s8, s4;
	s4 =	sadd.s32 $0xE00, s4  }
0xd: {  	s9 =	ssub.s32 s5, s9;
	s6 =	sadd.s32 s6, s7;
	s5 =	sadd.s32 $0x600, s8  }
0xe: {  	s7 =	smax.u32 s9, $0x1;
	s8 =	simm.s32 $0xB200;
	s9 =	simm.s32 $0x2  }
.LBB2_1:
0xf: {  	[tilespmem:s8], [sflag:$0x2] =	stream.linear.gather [hbm4b:s4+s3], $0x500, $0x38;
	[tilespmem:$0xBA00] =	vst v63  }
0x10: {  	_ =	swait.ge [sflag:s9], $0x500  }
0x11: {  	[sflag:s9] =	ssyncset.done $0x0  }
0x12: {  	[sflag:s9] =	ssyncadd.s32 $0xFFFFFB00  }
0x13: {  	[tilespmem:s3], [sflag:$0x2] =	stream.linear.gather [hbm4b:s5+s3], $0x200, $0x38;
	[tilespmem:$0xBA00] =	vst v63  }
0x14: {  	_ =	swait.ge [sflag:s9], $0x200  }
0x15: {  	[sflag:s9] =	ssyncset.done $0x0  }
0x16: {  	[sflag:s9] =	ssyncadd.s32 $0xFFFFFE00  }
0x17: {  	[tilespmem:s11], [sflag:$0x1] =	stream.indirect.gather [hbm4b:s2+s10], $0x80, s3, s10, $0xb8;
	[tilespmem:$0xBA00] =	vst v63  }
0x18: {  	_ = 	snop  }
0x19: {  	[tilespmem:s13], [sflag:$0x1] =	stream.indirect.gather [hbm4b:s2+s10], $0x80, s12, s10, $0xb8;
	[tilespmem:$0xBA00] =	vst v63  }
0x1a: {  	_ = 	snop  }
0x1b: {  	[tilespmem:s15], [sflag:$0x1] =	stream.indirect.gather [hbm4b:s2+s10], $0x80, s14, s10, $0xb8;
	[tilespmem:$0xBA00] =	vst v63  }
0x1c: {  	_ = 	snop  }
0x1d: {  	[tilespmem:s17], [sflag:$0x1] =	stream.indirect.gather [hbm4b:s2+s10], $0x80, s16, s10, $0xb8;
	[tilespmem:$0xBA00] =	vst v63  }
0x1e: {  	_ =	swait.ge [sflag:s18], $0x2800  }
0x1f: {  	[sflag:s18] =	ssyncset.done $0x0  }
0x20: {  	[sflag:s18] =	ssyncadd.s32 $0xFFFFD800  }
0x21: {  	_ =	swait.ge [sflag:s18], $0x2800  }
0x22: {  	[sflag:s18] =	ssyncset.done $0x0  }
0x23: {  	[sflag:s18] =	ssyncadd.s32 $0xFFFFD800  }
0x24: {  	_ =	swait.ge [sflag:s18], $0x2800  }
0x25: {  	[sflag:s18] =	ssyncset.done $0x0  }
0x26: {  	[sflag:s18] =	ssyncadd.s32 $0xFFFFD800  }
0x27: {  	_ =	swait.ge [sflag:s18], $0x2800  }
0x28: {  	[sflag:s18] =	ssyncset.done $0x0  }
0x29: {  	s21 =	simm.s32 $0x480;
	[sflag:s18] =	ssyncadd.s32 $0xFFFFD800  }
0x2a: {  	v0 =	vld [tilespmem:s21+$0xFFFFFD80]  }
0x2b: {  	v1 =	vld [tilespmem:$0xB200]  }
0x2c: {  	v2 =	vld [tilespmem:s21+$0xFFFFFE00]  }
0x2d: {  	v3 =	vld [tilespmem:$0xB280]  }
0x2e: {  	v4 =	vld [tilespmem:s21+$0xFFFFFE80]  }
0x2f: {  	v5 =	vld [tilespmem:$0xB300]  }
0x30: {  	v6 =	vld [tilespmem:$0xB380];
	v0 =	vmul.f32 v0, v1  }
0x31: {  	v1 =	vld [tilespmem:s21+$0xFFFFFF00]  }
0x32: {  	v7 =	vld [tilespmem:$0xB400];
	v2 =	vmul.f32 v2, v3;
	v0 =	vadd.f32 $0.0e+00, v0  }
0x33: {  	v3 =	vld [tilespmem:s21+$0xFFFFFF80]  }
0x34: {  	v46 =	vld [tilespmem:$0xB480];
	v4 =	vmul.f32 v4, v5;
	v0 =	vadd.f32 v2, v0  }
0x35: {  	v2 =	vld [tilespmem:s21+$0x0]  }
0x36: {  	v47 =	vld [tilespmem:s21+$0x80];
	v1 =	vmul.f32 v1, v6;
	v0 =	vadd.f32 v4, v0  }
0x37: {  	v48 =	vld [tilespmem:$0xB500]  }
0x38: {  	v49 =	vld [tilespmem:$0xB580];
	v0 =	vadd.f32 v1, v0;
	v1 =	vmul.f32 v3, v7  }
0x39: {  	v3 =	vld [tilespmem:s21+$0x100]  }
0x3a: {  	v50 =	vld [tilespmem:$0xB600];
	v0 =	vadd.f32 v1, v0;
	v1 =	vmul.f32 v2, v46  }
0x3b: {  	v2 =	vld [tilespmem:s21+$0x180]  }
0x3c: {  	v51 =	vld [tilespmem:s21+$0x200];
	v0 =	vadd.f32 v1, v0;
	v1 =	vmul.f32 v47, v48  }
0x3d: {  	v52 =	vld [tilespmem:$0xB680]  }
0x3e: {  	v0 =	vadd.f32 v1, v0;
	v1 =	vmul.f32 v3, v49;
	_ =	sdelay $0x1  }
0x3f: {  	v0 =	vadd.f32 v1, v0;
	v1 =	vmul.f32 v2, v50;
	_ =	sdelay $0x1  }
0x40: {  	v0 =	vadd.f32 v1, v0;
	v1 =	vmul.f32 v51, v52;
	_ =	sdelay $0x1  }
0x41: {  	v0 =	vadd.f32 v1, v0  }
0x42: {  	s22 =	simm.s32 $0x0  }
0x43: {  	[tilespmem:s22+$0xA200] =	vst v0  }
0x44: {  	v0 =	vld [tilespmem:$0xB200]  }
0x45: {  	v1 =	vld [tilespmem:s21+$0xFFFFFD90]  }
0x46: {  	v2 =	vld [tilespmem:s21+$0xFFFFFE10]  }
0x47: {  	v3 =	vld [tilespmem:$0xB280]  }
0x48: {  	v53 =	vld [tilespmem:s21+$0xFFFFFE90]  }
0x49: {  	v54 =	vld [tilespmem:$0xB300]  }
0x4a: {  	v55 =	vld [tilespmem:$0xB380];
	v0 =	vmul.f32 v1, v0  }
0x4b: {  	v1 =	vld [tilespmem:s21+$0xFFFFFF10]  }
0x4c: {  	v56 =	vld [tilespmem:$0xB400];
	v2 =	vmul.f32 v2, v3;
	v0 =	vadd.f32 $0.0e+00, v0  }
0x4d: {  	v3 =	vld [tilespmem:s21+$0xFFFFFF90]  }
0x4e: {  	v57 =	vld [tilespmem:s21+$0x10];
	v0 =	vadd.f32 v2, v0;
	v2 =	vmul.f32 v53, v54  }
0x4f: {  	v58 =	vld [tilespmem:$0xB480]  }
0x50: {  	v59 =	vld [tilespmem:$0xB500];
	v1 =	vmul.f32 v1, v55;
	v0 =	vadd.f32 v2, v0  }
0x51: {  	v2 =	vld [tilespmem:s21+$0x90]  }
0x52: {  	v60 =	vld [tilespmem:$0xB580];
	v0 =	vadd.f32 v1, v0;
	v1 =	vmul.f32 v3, v56  }
0x53: {  	v3 =	vld [tilespmem:s21+$0x110]  }
0x54: {  	v61 =	vld [tilespmem:s21+$0x190];
	v0 =	vadd.f32 v1, v0;
	v1 =	vmul.f32 v57, v58  }
0x55: {  	v62 =	vld [tilespmem:$0xB600]  }
0x56: {  	v63 =	vld [tilespmem:$0xB680];
	v0 =	vadd.f32 v1, v0;
	v1 =	vmul.f32 v2, v59  }
0x57: {  	v2 =	vld [tilespmem:s21+$0x210]  }
0x58: {  	v0 =	vadd.f32 v1, v0;
	v1 =	vmul.f32 v3, v60;
	_ =	sdelay $0x1  }
0x59: {  	v0 =	vadd.f32 v1, v0;
	v1 =	vmul.f32 v61, v62;
	_ =	sdelay $0x1  }
0x5a: {  	v0 =	vadd.f32 v1, v0;
	v1 =	vmul.f32 v2, v63;
	_ =	sdelay $0x1  }
0x5b: {  	v0 =	vadd.f32 v1, v0;
	_ =	sdelay $0x1  }
0x5c: {  	[tilespmem:s22+$0xA210] =	vst v0  }
0x5d: {  	v0 =	vld [tilespmem:$0xB200]  }
0x5e: {  	v1 =	vld [tilespmem:s21+$0xFFFFFDA0]  }
0x5f: {  	v2 =	vld [tilespmem:s21+$0xFFFFFE20]  }
0x60: {  	v3 =	vld [tilespmem:$0xB280]  }
0x61: {  	v9 =	vld [tilespmem:s21+$0xFFFFFEA0]  }
0x62: {  	v10 =	vld [tilespmem:$0xB300]  }
0x63: {  	v11 =	vld [tilespmem:$0xB380];
	v0 =	vmul.f32 v1, v0  }
0x64: {  	v1 =	vld [tilespmem:s21+$0xFFFFFF20]  }
0x65: {  	v12 =	vld [tilespmem:$0xB400];
	v2 =	vmul.f32 v2, v3;
	v0 =	vadd.f32 $0.0e+00, v0  }
0x66: {  	v3 =	vld [tilespmem:s21+$0xFFFFFFA0]  }
0x67: {  	v13 =	vld [tilespmem:s21+$0x20];
	v0 =	vadd.f32 v2, v0;
	v2 =	vmul.f32 v9, v10  }
0x68: {  	v14 =	vld [tilespmem:$0xB480]  }
0x69: {  	v15 =	vld [tilespmem:$0xB500];
	v1 =	vmul.f32 v1, v11;
	v0 =	vadd.f32 v2, v0  }
0x6a: {  	v2 =	vld [tilespmem:s21+$0xA0]  }
0x6b: {  	v16 =	vld [tilespmem:$0xB580];
	v0 =	vadd.f32 v1, v0;
	v1 =	vmul.f32 v3, v12  }
0x6c: {  	v3 =	vld [tilespmem:s21+$0x120]  }
0x6d: {  	v17 =	vld [tilespmem:s21+$0x1A0];
	v0 =	vadd.f32 v1, v0;
	v1 =	vmul.f32 v13, v14  }
0x6e: {  	v18 =	vld [tilespmem:$0xB600]  }
0x6f: {  	v19 =	vld [tilespmem:$0xB680];
	v0 =	vadd.f32 v1, v0;
	v1 =	vmul.f32 v2, v15  }
0x70: {  	v2 =	vld [tilespmem:s21+$0x220]  }
0x71: {  	v0 =	vadd.f32 v1, v0;
	v1 =	vmul.f32 v3, v16;
	_ =	sdelay $0x1  }
0x72: {  	v0 =	vadd.f32 v1, v0;
	v1 =	vmul.f32 v17, v18;
	_ =	sdelay $0x1  }
0x73: {  	v0 =	vadd.f32 v1, v0;
	v1 =	vmul.f32 v2, v19;
	_ =	sdelay $0x1  }
0x74: {  	v0 =	vadd.f32 v1, v0;
	_ =	sdelay $0x1  }
0x75: {  	[tilespmem:s22+$0xA220] =	vst v0  }
0x76: {  	v0 =	vld [tilespmem:$0xB200]  }
0x77: {  	v1 =	vld [tilespmem:s21+$0xFFFFFDB0]  }
0x78: {  	v2 =	vld [tilespmem:s21+$0xFFFFFE30]  }
0x79: {  	v3 =	vld [tilespmem:$0xB280]  }
0x7a: {  	v20 =	vld [tilespmem:s21+$0xFFFFFEB0]  }
0x7b: {  	v21 =	vld [tilespmem:$0xB300]  }
0x7c: {  	v22 =	vld [tilespmem:$0xB380];
	v0 =	vmul.f32 v1, v0  }
0x7d: {  	v1 =	vld [tilespmem:s21+$0xFFFFFF30]  }
0x7e: {  	v23 =	vld [tilespmem:$0xB400];
	v2 =	vmul.f32 v2, v3;
	v0 =	vadd.f32 $0.0e+00, v0  }
0x7f: {  	v3 =	vld [tilespmem:s21+$0xFFFFFFB0]  }
0x80: {  	v24 =	vld [tilespmem:s21+$0x30];
	v0 =	vadd.f32 v2, v0;
	v2 =	vmul.f32 v20, v21  }
0x81: {  	v25 =	vld [tilespmem:$0xB480]  }
0x82: {  	v26 =	vld [tilespmem:$0xB500];
	v1 =	vmul.f32 v1, v22;
	v0 =	vadd.f32 v2, v0  }
0x83: {  	v2 =	vld [tilespmem:s21+$0xB0]  }
0x84: {  	v27 =	vld [tilespmem:$0xB580];
	v0 =	vadd.f32 v1, v0;
	v1 =	vmul.f32 v3, v23  }
0x85: {  	v3 =	vld [tilespmem:s21+$0x130]  }
0x86: {  	v28 =	vld [tilespmem:s21+$0x1B0];
	v0 =	vadd.f32 v1, v0;
	v1 =	vmul.f32 v24, v25  }
0x87: {  	v29 =	vld [tilespmem:$0xB600]  }
0x88: {  	v30 =	vld [tilespmem:$0xB680];
	v0 =	vadd.f32 v1, v0;
	v1 =	vmul.f32 v2, v26  }
0x89: {  	v2 =	vld [tilespmem:s21+$0x230]  }
0x8a: {  	v0 =	vadd.f32 v1, v0;
	v1 =	vmul.f32 v3, v27;
	_ =	sdelay $0x1  }
0x8b: {  	v0 =	vadd.f32 v1, v0;
	v1 =	vmul.f32 v28, v29;
	_ =	sdelay $0x1  }
0x8c: {  	v0 =	vadd.f32 v1, v0;
	v1 =	vmul.f32 v2, v30;
	_ =	sdelay $0x1  }
0x8d: {  	v0 =	vadd.f32 v1, v0;
	_ =	sdelay $0x1  }
0x8e: {  	[tilespmem:s22+$0xA230] =	vst v0  }
0x8f: {  	v0 =	vld [tilespmem:$0xB200]  }
0x90: {  	v1 =	vld [tilespmem:s21+$0xFFFFFDC0]  }
0x91: {  	v2 =	vld [tilespmem:$0xB280]  }
0x92: {  	v3 =	vld [tilespmem:s21+$0xFFFFFE40]  }
0x93: {  	v31 =	vld [tilespmem:s21+$0xFFFFFEC0]  }
0x94: {  	v32 =	vld [tilespmem:$0xB300]  }
0x95: {  	v33 =	vld [tilespmem:$0xB380];
	v0 =	vmul.f32 v1, v0  }
0x96: {  	v1 =	vld [tilespmem:s21+$0xFFFFFF40]  }
0x97: {  	v34 =	vld [tilespmem:$0xB400];
	v2 =	vmul.f32 v3, v2;
	v0 =	vadd.f32 $0.0e+00, v0  }
0x98: {  	v3 =	vld [tilespmem:s21+$0xFFFFFFC0]  }
0x99: {  	v35 =	vld [tilespmem:s21+$0x40];
	v0 =	vadd.f32 v2, v0;
	v2 =	vmul.f32 v31, v32  }
0x9a: {  	v36 =	vld [tilespmem:$0xB480]  }
0x9b: {  	v37 =	vld [tilespmem:$0xB500];
	v1 =	vmul.f32 v1, v33;
	v0 =	vadd.f32 v2, v0  }
0x9c: {  	v2 =	vld [tilespmem:s21+$0xC0]  }
0x9d: {  	v38 =	vld [tilespmem:$0xB580];
	v0 =	vadd.f32 v1, v0;
	v1 =	vmul.f32 v3, v34  }
0x9e: {  	v3 =	vld [tilespmem:s21+$0x140]  }
0x9f: {  	v39 =	vld [tilespmem:s21+$0x1C0];
	v0 =	vadd.f32 v1, v0;
	v1 =	vmul.f32 v35, v36  }
0xa0: {  	v40 =	vld [tilespmem:$0xB600]  }
0xa1: {  	v41 =	vld [tilespmem:$0xB680];
	v0 =	vadd.f32 v1, v0;
	v1 =	vmul.f32 v2, v37  }
0xa2: {  	v2 =	vld [tilespmem:s21+$0x240]  }
0xa3: {  	v0 =	vadd.f32 v1, v0;
	v1 =	vmul.f32 v3, v38;
	_ =	sdelay $0x1  }
0xa4: {  	v0 =	vadd.f32 v1, v0;
	v1 =	vmul.f32 v39, v40;
	_ =	sdelay $0x1  }
0xa5: {  	v0 =	vadd.f32 v1, v0;
	v1 =	vmul.f32 v2, v41;
	_ =	sdelay $0x1  }
0xa6: {  	v0 =	vadd.f32 v1, v0;
	_ =	sdelay $0x1  }
0xa7: {  	[tilespmem:s22+$0xA240] =	vst v0  }
0xa8: {  	v0 =	vld [tilespmem:$0xB200]  }
0xa9: {  	v1 =	vld [tilespmem:s21+$0xFFFFFDD0]  }
0xaa: {  	v2 =	vld [tilespmem:$0xB280]  }
0xab: {  	v3 =	vld [tilespmem:s21+$0xFFFFFE50]  }
0xac: {  	v42 =	vld [tilespmem:$0xB300]  }
0xad: {  	v43 =	vld [tilespmem:s21+$0xFFFFFED0]  }
0xae: {  	v44 =	vld [tilespmem:s21+$0xFFFFFF50];
	v0 =	vmul.f32 v1, v0  }
0xaf: {  	v1 =	vld [tilespmem:$0xB380]  }
0xb0: {  	v45 =	vld [tilespmem:s21+$0xFFFFFFD0];
	v2 =	vmul.f32 v3, v2;
	v0 =	vadd.f32 $0.0e+00, v0  }
0xb1: {  	v3 =	vld [tilespmem:$0xB400]  }
0xb2: {  	v46 =	vld [tilespmem:$0xB480];
	v0 =	vadd.f32 v2, v0;
	v2 =	vmul.f32 v43, v42  }
0xb3: {  	v47 =	vld [tilespmem:s21+$0x50]  }
0xb4: {  	v48 =	vld [tilespmem:s21+$0xD0];
	v1 =	vmul.f32 v44, v1;
	v0 =	vadd.f32 v2, v0  }
0xb5: {  	v2 =	vld [tilespmem:$0xB500]  }
0xb6: {  	v49 =	vld [tilespmem:s21+$0x150];
	v0 =	vadd.f32 v1, v0;
	v1 =	vmul.f32 v45, v3  }
0xb7: {  	v3 =	vld [tilespmem:$0xB580]  }
0xb8: {  	v50 =	vld [tilespmem:$0xB600];
	v0 =	vadd.f32 v1, v0;
	v1 =	vmul.f32 v47, v46  }
0xb9: {  	v51 =	vld [tilespmem:s21+$0x1D0]  }
0xba: {  	v52 =	vld [tilespmem:s21+$0x250];
	v0 =	vadd.f32 v1, v0;
	v1 =	vmul.f32 v48, v2  }
0xbb: {  	v2 =	vld [tilespmem:$0xB680]  }
0xbc: {  	v0 =	vadd.f32 v1, v0;
	v1 =	vmul.f32 v49, v3;
	_ =	sdelay $0x1  }
0xbd: {  	v0 =	vadd.f32 v1, v0;
	v1 =	vmul.f32 v51, v50;
	_ =	sdelay $0x1  }
0xbe: {  	v0 =	vadd.f32 v1, v0;
	v1 =	vmul.f32 v52, v2;
	_ =	sdelay $0x1  }
0xbf: {  	v0 =	vadd.f32 v1, v0;
	_ =	sdelay $0x1  }
0xc0: {  	[tilespmem:s22+$0xA250] =	vst v0  }
0xc1: {  	v0 =	vld [tilespmem:$0xB200]  }
0xc2: {  	v1 =	vld [tilespmem:s21+$0xFFFFFDE0]  }
0xc3: {  	v2 =	vld [tilespmem:$0xB280]  }
0xc4: {  	v3 =	vld [tilespmem:s21+$0xFFFFFE60]  }
0xc5: {  	v53 =	vld [tilespmem:$0xB300]  }
0xc6: {  	v54 =	vld [tilespmem:s21+$0xFFFFFEE0]  }
0xc7: {  	v55 =	vld [tilespmem:$0xB380];
	v0 =	vmul.f32 v1, v0  }
0xc8: {  	v1 =	vld [tilespmem:s21+$0xFFFFFF60]  }
0xc9: {  	v56 =	vld [tilespmem:s21+$0xFFFFFFE0];
	v2 =	vmul.f32 v3, v2;
	v0 =	vadd.f32 $0.0e+00, v0  }
0xca: {  	v3 =	vld [tilespmem:$0xB400]  }
0xcb: {  	v57 =	vld [tilespmem:$0xB480];
	v0 =	vadd.f32 v2, v0;
	v2 =	vmul.f32 v54, v53  }
0xcc: {  	v58 =	vld [tilespmem:s21+$0x60]  }
0xcd: {  	v59 =	vld [tilespmem:s21+$0xE0];
	v1 =	vmul.f32 v1, v55;
	v0 =	vadd.f32 v2, v0  }
0xce: {  	v2 =	vld [tilespmem:$0xB500]  }
0xcf: {  	v60 =	vld [tilespmem:s21+$0x160];
	v0 =	vadd.f32 v1, v0;
	v1 =	vmul.f32 v56, v3  }
0xd0: {  	v3 =	vld [tilespmem:$0xB580]  }
0xd1: {  	v61 =	vld [tilespmem:$0xB600];
	v0 =	vadd.f32 v1, v0;
	v1 =	vmul.f32 v58, v57  }
0xd2: {  	v62 =	vld [tilespmem:s21+$0x1E0]  }
0xd3: {  	v63 =	vld [tilespmem:s21+$0x260];
	v0 =	vadd.f32 v1, v0;
	v1 =	vmul.f32 v59, v2  }
0xd4: {  	v2 =	vld [tilespmem:$0xB680]  }
0xd5: {  	v0 =	vadd.f32 v1, v0;
	v1 =	vmul.f32 v60, v3;
	_ =	sdelay $0x1  }
0xd6: {  	v0 =	vadd.f32 v1, v0;
	v1 =	vmul.f32 v62, v61;
	_ =	sdelay $0x1  }
0xd7: {  	v0 =	vadd.f32 v1, v0;
	v1 =	vmul.f32 v63, v2;
	_ =	sdelay $0x1  }
0xd8: {  	s24 =	simm.s32 $0x200;
	s23 =	simm.s32 $0x480;
	v0 =	vadd.f32 v1, v0  }
.LBB2_2:
0xd9: {  	p0 =	sne.s32 s24, $0x3E00  }
0xda: {  	s21 =	sadd.s32 $0x500, s21;
	s25 =	smov.u32 s24;
	s24 =	sadd.s32 $0x200, s24  }
0xdb: {  	[tilespmem:s22+$0xA260] =	vst v0  }
0xdc: {  	v0 =	vld [tilespmem:$0xB200]  }
0xdd: {  	v1 =	vld [tilespmem:s23+$0xFFFFFDF0]  }
0xde: {  	v2 =	vld [tilespmem:$0xB280]  }
0xdf: {  	v3 =	vld [tilespmem:s23+$0xFFFFFE70]  }
0xe0: {  	v4 =	vld [tilespmem:$0xB300]  }
0xe1: {  	v5 =	vld [tilespmem:s23+$0xFFFFFEF0]  }
0xe2: {  	v0 =	vmul.f32 v1, v0;
	v1 =	vld [tilespmem:$0xB380]  }
0xe3: {  	v6 =	vld [tilespmem:s23+$0xFFFFFF70]  }
0xe4: {  	v0 =	vadd.f32 $0.0e+00, v0;
	v2 =	vmul.f32 v3, v2;
	v3 =	vld [tilespmem:$0xB400]  }
0xe5: {  	v7 =	vld [tilespmem:s23+$0xFFFFFFF0]  }
0xe6: {  	v0 =	vadd.f32 v2, v0;
	v2 =	vmul.f32 v5, v4;
	v4 =	vld [tilespmem:$0xB480]  }
0xe7: {  	v5 =	vld [tilespmem:s23+$0x70]  }
0xe8: {  	v0 =	vadd.f32 v2, v0;
	v1 =	vmul.f32 v6, v1;
	v2 =	vld [tilespmem:$0xB500]  }
0xe9: {  	v6 =	vld [tilespmem:s23+$0xF0]  }
0xea: {  	v0 =	vadd.f32 v1, v0;
	v1 =	vmul.f32 v7, v3;
	v3 =	vld [tilespmem:$0xB580]  }
0xeb: {  	v7 =	vld [tilespmem:s23+$0x170]  }
0xec: {  	v0 =	vadd.f32 v1, v0;
	v1 =	vmul.f32 v5, v4;
	v4 =	vld [tilespmem:$0xB600]  }
0xed: {  	v5 =	vld [tilespmem:s23+$0x1F0]  }
0xee: {  	v0 =	vadd.f32 v1, v0;
	v1 =	vmul.f32 v6, v2;
	v2 =	vld [tilespmem:$0xB680]  }
0xef: {  	v6 =	vld [tilespmem:s23+$0x270];
	s23 =	smov.u32 s21  }
0xf0: {  	v0 =	vadd.f32 v1, v0;
	v1 =	vmul.f32 v7, v3;
	_ =	sdelay $0x1  }
0xf1: {  	v0 =	vadd.f32 v1, v0;
	v1 =	vmul.f32 v5, v4;
	_ =	sdelay $0x1  }
0xf2: {  	v0 =	vadd.f32 v1, v0;
	v1 =	vmul.f32 v6, v2;
	_ =	sdelay $0x1  }
0xf3: {  	v0 =	vadd.f32 v1, v0;
	_ =	sdelay $0x1  }
0xf4: {  	[tilespmem:s22+$0xA270] =	vst v0  }
0xf5: {  	v0 =	vld [tilespmem:s21+$0xFFFFFE00]  }
0xf6: {  	v1 =	vld [tilespmem:s21+$0xFFFFFD80]  }
0xf7: {  	v2 =	vld [tilespmem:$0xB200]  }
0xf8: {  	v3 =	vld [tilespmem:$0xB280]  }
0xf9: {  	v4 =	vld [tilespmem:s21+$0xFFFFFE80]  }
0xfa: {  	v5 =	vld [tilespmem:$0xB300];
	_ =	sdelay $0x1  }
0xfb: {  	v1 =	vmul.f32 v1, v2;
	v2 =	vld [tilespmem:s21+$0xFFFFFF00]  }
0xfc: {  	v0 =	vmul.f32 v0, v3;
	v3 =	vld [tilespmem:$0xB380]  }
0xfd: {  	v1 =	vadd.f32 $0.0e+00, v1;
	v6 =	vld [tilespmem:s21+$0xFFFFFF80]  }
0xfe: {  	v4 =	vmul.f32 v4, v5;
	v5 =	vld [tilespmem:$0xB400]  }
0xff: {  	v0 =	vadd.f32 v0, v1;
	v1 =	vld [tilespmem:s21+$0x0]  }
0x100: {  	v7 =	vld [tilespmem:$0xB480]  }
0x101: {  	v0 =	vadd.f32 v4, v0;
	v2 =	vmul.f32 v2, v3;
	v3 =	vld [tilespmem:s21+$0x80]  }
0x102: {  	v4 =	vld [tilespmem:$0xB500]  }
0x103: {  	v0 =	vadd.f32 v2, v0;
	v2 =	vmul.f32 v6, v5;
	v5 =	vld [tilespmem:s21+$0x100]  }
0x104: {  	v6 =	vld [tilespmem:$0xB580]  }
0x105: {  	v0 =	vadd.f32 v2, v0;
	v1 =	vmul.f32 v1, v7;
	v2 =	vld [tilespmem:s21+$0x180]  }
0x106: {  	v7 =	vld [tilespmem:$0xB600]  }
0x107: {  	v0 =	vadd.f32 v1, v0;
	v1 =	vmul.f32 v3, v4;
	v3 =	vld [tilespmem:s21+$0x200]  }
0x108: {  	v4 =	vld [tilespmem:$0xB680]  }
0x109: {  	v0 =	vadd.f32 v1, v0;
	v1 =	vmul.f32 v5, v6;
	_ =	sdelay $0x1  }
0x10a: {  	v0 =	vadd.f32 v1, v0;
	v1 =	vmul.f32 v2, v7;
	_ =	sdelay $0x1  }
0x10b: {  	v0 =	vadd.f32 v1, v0;
	v1 =	vmul.f32 v3, v4;
	_ =	sdelay $0x1  }
0x10c: {  	v0 =	vadd.f32 v1, v0  }
0x10d: {  	s22 =	sshra.s32 s25, $0x2  }
0x10e: {  	[tilespmem:s22+$0xA200] =	vst v0  }
0x10f: {  	v0 =	vld [tilespmem:$0xB200]  }
0x110: {  	v1 =	vld [tilespmem:s21+$0xFFFFFD90]  }
0x111: {  	v2 =	vld [tilespmem:s21+$0xFFFFFE10]  }
0x112: {  	v3 =	vld [tilespmem:$0xB280]  }
0x113: {  	v4 =	vld [tilespmem:s21+$0xFFFFFE90]  }
0x114: {  	v5 =	vld [tilespmem:$0xB300]  }
0x115: {  	v0 =	vmul.f32 v1, v0;
	v1 =	vld [tilespmem:s21+$0xFFFFFF10]  }
0x116: {  	v6 =	vld [tilespmem:$0xB380]  }
0x117: {  	v0 =	vadd.f32 $0.0e+00, v0;
	v2 =	vmul.f32 v2, v3;
	v3 =	vld [tilespmem:s21+$0xFFFFFF90]  }
0x118: {  	v7 =	vld [tilespmem:$0xB400]  }
0x119: {  	v0 =	vadd.f32 v2, v0;
	v2 =	vmul.f32 v4, v5;
	v4 =	vld [tilespmem:s21+$0x10]  }
0x11a: {  	v5 =	vld [tilespmem:$0xB480]  }
0x11b: {  	v0 =	vadd.f32 v2, v0;
	v1 =	vmul.f32 v1, v6;
	v2 =	vld [tilespmem:s21+$0x90]  }
0x11c: {  	v6 =	vld [tilespmem:$0xB500]  }
0x11d: {  	v0 =	vadd.f32 v1, v0;
	v1 =	vmul.f32 v3, v7;
	v3 =	vld [tilespmem:s21+$0x110]  }
0x11e: {  	v7 =	vld [tilespmem:$0xB580]  }
0x11f: {  	v0 =	vadd.f32 v1, v0;
	v1 =	vmul.f32 v4, v5;
	v4 =	vld [tilespmem:s21+$0x190]  }
0x120: {  	v5 =	vld [tilespmem:$0xB600]  }
0x121: {  	v0 =	vadd.f32 v1, v0;
	v1 =	vmul.f32 v2, v6;
	v2 =	vld [tilespmem:s21+$0x210]  }
0x122: {  	v6 =	vld [tilespmem:$0xB680]  }
0x123: {  	v0 =	vadd.f32 v1, v0;
	v1 =	vmul.f32 v3, v7;
	_ =	sdelay $0x1  }
0x124: {  	v0 =	vadd.f32 v1, v0;
	v1 =	vmul.f32 v4, v5;
	_ =	sdelay $0x1  }
0x125: {  	v0 =	vadd.f32 v1, v0;
	v1 =	vmul.f32 v2, v6;
	_ =	sdelay $0x1  }
0x126: {  	v0 =	vadd.f32 v1, v0;
	_ =	sdelay $0x1  }
0x127: {  	[tilespmem:s22+$0xA210] =	vst v0  }
0x128: {  	v0 =	vld [tilespmem:$0xB200]  }
0x129: {  	v1 =	vld [tilespmem:s21+$0xFFFFFDA0]  }
0x12a: {  	v2 =	vld [tilespmem:s21+$0xFFFFFE20]  }
0x12b: {  	v3 =	vld [tilespmem:$0xB280]  }
0x12c: {  	v4 =	vld [tilespmem:s21+$0xFFFFFEA0]  }
0x12d: {  	v5 =	vld [tilespmem:$0xB300]  }
0x12e: {  	v0 =	vmul.f32 v1, v0;
	v1 =	vld [tilespmem:s21+$0xFFFFFF20]  }
0x12f: {  	v6 =	vld [tilespmem:$0xB380]  }
0x130: {  	v0 =	vadd.f32 $0.0e+00, v0;
	v2 =	vmul.f32 v2, v3;
	v3 =	vld [tilespmem:s21+$0xFFFFFFA0]  }
0x131: {  	v7 =	vld [tilespmem:$0xB400]  }
0x132: {  	v0 =	vadd.f32 v2, v0;
	v2 =	vmul.f32 v4, v5;
	v4 =	vld [tilespmem:s21+$0x20]  }
0x133: {  	v5 =	vld [tilespmem:$0xB480]  }
0x134: {  	v0 =	vadd.f32 v2, v0;
	v1 =	vmul.f32 v1, v6;
	v2 =	vld [tilespmem:s21+$0xA0]  }
0x135: {  	v6 =	vld [tilespmem:$0xB500]  }
0x136: {  	v0 =	vadd.f32 v1, v0;
	v1 =	vmul.f32 v3, v7;
	v3 =	vld [tilespmem:s21+$0x120]  }
0x137: {  	v7 =	vld [tilespmem:$0xB580]  }
0x138: {  	v0 =	vadd.f32 v1, v0;
	v1 =	vmul.f32 v4, v5;
	v4 =	vld [tilespmem:s21+$0x1A0]  }
0x139: {  	v5 =	vld [tilespmem:$0xB600]  }
0x13a: {  	v0 =	vadd.f32 v1, v0;
	v1 =	vmul.f32 v2, v6;
	v2 =	vld [tilespmem:s21+$0x220]  }
0x13b: {  	v6 =	vld [tilespmem:$0xB680]  }
0x13c: {  	v0 =	vadd.f32 v1, v0;
	v1 =	vmul.f32 v3, v7;
	_ =	sdelay $0x1  }
0x13d: {  	v0 =	vadd.f32 v1, v0;
	v1 =	vmul.f32 v4, v5;
	_ =	sdelay $0x1  }
0x13e: {  	v0 =	vadd.f32 v1, v0;
	v1 =	vmul.f32 v2, v6;
	_ =	sdelay $0x1  }
0x13f: {  	v0 =	vadd.f32 v1, v0;
	_ =	sdelay $0x1  }
0x140: {  	[tilespmem:s22+$0xA220] =	vst v0  }
0x141: {  	v0 =	vld [tilespmem:$0xB200]  }
0x142: {  	v1 =	vld [tilespmem:s21+$0xFFFFFDB0]  }
0x143: {  	v2 =	vld [tilespmem:s21+$0xFFFFFE30]  }
0x144: {  	v3 =	vld [tilespmem:$0xB280]  }
0x145: {  	v4 =	vld [tilespmem:s21+$0xFFFFFEB0]  }
0x146: {  	v5 =	vld [tilespmem:$0xB300]  }
0x147: {  	v0 =	vmul.f32 v1, v0;
	v1 =	vld [tilespmem:s21+$0xFFFFFF30]  }
0x148: {  	v6 =	vld [tilespmem:$0xB380]  }
0x149: {  	v0 =	vadd.f32 $0.0e+00, v0;
	v2 =	vmul.f32 v2, v3;
	v3 =	vld [tilespmem:s21+$0xFFFFFFB0]  }
0x14a: {  	v7 =	vld [tilespmem:$0xB400]  }
0x14b: {  	v0 =	vadd.f32 v2, v0;
	v2 =	vmul.f32 v4, v5;
	v4 =	vld [tilespmem:s21+$0x30]  }
0x14c: {  	v5 =	vld [tilespmem:$0xB480]  }
0x14d: {  	v0 =	vadd.f32 v2, v0;
	v1 =	vmul.f32 v1, v6;
	v2 =	vld [tilespmem:s21+$0xB0]  }
0x14e: {  	v6 =	vld [tilespmem:$0xB500]  }
0x14f: {  	v0 =	vadd.f32 v1, v0;
	v1 =	vmul.f32 v3, v7;
	v3 =	vld [tilespmem:s21+$0x130]  }
0x150: {  	v7 =	vld [tilespmem:$0xB580]  }
0x151: {  	v0 =	vadd.f32 v1, v0;
	v1 =	vmul.f32 v4, v5;
	v4 =	vld [tilespmem:s21+$0x1B0]  }
0x152: {  	v5 =	vld [tilespmem:$0xB600]  }
0x153: {  	v0 =	vadd.f32 v1, v0;
	v1 =	vmul.f32 v2, v6;
	v2 =	vld [tilespmem:s21+$0x230]  }
0x154: {  	v6 =	vld [tilespmem:$0xB680]  }
0x155: {  	v0 =	vadd.f32 v1, v0;
	v1 =	vmul.f32 v3, v7;
	_ =	sdelay $0x1  }
0x156: {  	v0 =	vadd.f32 v1, v0;
	v1 =	vmul.f32 v4, v5;
	_ =	sdelay $0x1  }
0x157: {  	v0 =	vadd.f32 v1, v0;
	v1 =	vmul.f32 v2, v6;
	_ =	sdelay $0x1  }
0x158: {  	v0 =	vadd.f32 v1, v0;
	_ =	sdelay $0x1  }
0x159: {  	[tilespmem:s22+$0xA230] =	vst v0  }
0x15a: {  	v0 =	vld [tilespmem:$0xB200]  }
0x15b: {  	v1 =	vld [tilespmem:s21+$0xFFFFFDC0]  }
0x15c: {  	v2 =	vld [tilespmem:$0xB280]  }
0x15d: {  	v3 =	vld [tilespmem:s21+$0xFFFFFE40]  }
0x15e: {  	v4 =	vld [tilespmem:s21+$0xFFFFFEC0]  }
0x15f: {  	v5 =	vld [tilespmem:$0xB300]  }
0x160: {  	v0 =	vmul.f32 v1, v0;
	v1 =	vld [tilespmem:s21+$0xFFFFFF40]  }
0x161: {  	v6 =	vld [tilespmem:$0xB380]  }
0x162: {  	v0 =	vadd.f32 $0.0e+00, v0;
	v2 =	vmul.f32 v3, v2;
	v3 =	vld [tilespmem:s21+$0xFFFFFFC0]  }
0x163: {  	v7 =	vld [tilespmem:$0xB400]  }
0x164: {  	v0 =	vadd.f32 v2, v0;
	v2 =	vmul.f32 v4, v5;
	v4 =	vld [tilespmem:s21+$0x40]  }
0x165: {  	v5 =	vld [tilespmem:$0xB480]  }
0x166: {  	v0 =	vadd.f32 v2, v0;
	v1 =	vmul.f32 v1, v6;
	v2 =	vld [tilespmem:s21+$0xC0]  }
0x167: {  	v6 =	vld [tilespmem:$0xB500]  }
0x168: {  	v0 =	vadd.f32 v1, v0;
	v1 =	vmul.f32 v3, v7;
	v3 =	vld [tilespmem:s21+$0x140]  }
0x169: {  	v7 =	vld [tilespmem:$0xB580]  }
0x16a: {  	v0 =	vadd.f32 v1, v0;
	v1 =	vmul.f32 v4, v5;
	v4 =	vld [tilespmem:s21+$0x1C0]  }
0x16b: {  	v5 =	vld [tilespmem:$0xB600]  }
0x16c: {  	v0 =	vadd.f32 v1, v0;
	v1 =	vmul.f32 v2, v6;
	v2 =	vld [tilespmem:s21+$0x240]  }
0x16d: {  	v6 =	vld [tilespmem:$0xB680]  }
0x16e: {  	v0 =	vadd.f32 v1, v0;
	v1 =	vmul.f32 v3, v7;
	_ =	sdelay $0x1  }
0x16f: {  	v0 =	vadd.f32 v1, v0;
	v1 =	vmul.f32 v4, v5;
	_ =	sdelay $0x1  }
0x170: {  	v0 =	vadd.f32 v1, v0;
	v1 =	vmul.f32 v2, v6;
	_ =	sdelay $0x1  }
0x171: {  	v0 =	vadd.f32 v1, v0;
	_ =	sdelay $0x1  }
0x172: {  	[tilespmem:s22+$0xA240] =	vst v0  }
0x173: {  	v0 =	vld [tilespmem:$0xB200]  }
0x174: {  	v1 =	vld [tilespmem:s21+$0xFFFFFDD0]  }
0x175: {  	v2 =	vld [tilespmem:$0xB280]  }
0x176: {  	v3 =	vld [tilespmem:s21+$0xFFFFFE50]  }
0x177: {  	v4 =	vld [tilespmem:$0xB300]  }
0x178: {  	v5 =	vld [tilespmem:s21+$0xFFFFFED0]  }
0x179: {  	v0 =	vmul.f32 v1, v0;
	v1 =	vld [tilespmem:$0xB380]  }
0x17a: {  	v6 =	vld [tilespmem:s21+$0xFFFFFF50]  }
0x17b: {  	v0 =	vadd.f32 $0.0e+00, v0;
	v2 =	vmul.f32 v3, v2;
	v3 =	vld [tilespmem:$0xB400]  }
0x17c: {  	v7 =	vld [tilespmem:s21+$0xFFFFFFD0]  }
0x17d: {  	v0 =	vadd.f32 v2, v0;
	v2 =	vmul.f32 v5, v4;
	v4 =	vld [tilespmem:$0xB480]  }
0x17e: {  	v5 =	vld [tilespmem:s21+$0x50]  }
0x17f: {  	v0 =	vadd.f32 v2, v0;
	v1 =	vmul.f32 v6, v1;
	v2 =	vld [tilespmem:$0xB500]  }
0x180: {  	v6 =	vld [tilespmem:s21+$0xD0]  }
0x181: {  	v0 =	vadd.f32 v1, v0;
	v1 =	vmul.f32 v7, v3;
	v3 =	vld [tilespmem:$0xB580]  }
0x182: {  	v7 =	vld [tilespmem:s21+$0x150]  }
0x183: {  	v0 =	vadd.f32 v1, v0;
	v1 =	vmul.f32 v5, v4;
	v4 =	vld [tilespmem:$0xB600]  }
0x184: {  	v5 =	vld [tilespmem:s21+$0x1D0]  }
0x185: {  	v0 =	vadd.f32 v1, v0;
	v1 =	vmul.f32 v6, v2;
	v2 =	vld [tilespmem:$0xB680]  }
0x186: {  	v6 =	vld [tilespmem:s21+$0x250]  }
0x187: {  	v0 =	vadd.f32 v1, v0;
	v1 =	vmul.f32 v7, v3;
	_ =	sdelay $0x1  }
0x188: {  	v0 =	vadd.f32 v1, v0;
	v1 =	vmul.f32 v5, v4;
	_ =	sdelay $0x1  }
0x189: {  	v0 =	vadd.f32 v1, v0;
	v1 =	vmul.f32 v6, v2;
	_ =	sdelay $0x1  }
0x18a: {  	v0 =	vadd.f32 v1, v0;
	_ =	sdelay $0x1  }
0x18b: {  	[tilespmem:s22+$0xA250] =	vst v0  }
0x18c: {  	v0 =	vld [tilespmem:$0xB200]  }
0x18d: {  	v1 =	vld [tilespmem:s21+$0xFFFFFDE0]  }
0x18e: {  	v2 =	vld [tilespmem:$0xB280]  }
0x18f: {  	v3 =	vld [tilespmem:s21+$0xFFFFFE60]  }
0x190: {  	v4 =	vld [tilespmem:$0xB300]  }
0x191: {  	v5 =	vld [tilespmem:s21+$0xFFFFFEE0]  }
0x192: {  	v0 =	vmul.f32 v1, v0;
	v1 =	vld [tilespmem:s21+$0xFFFFFF60]  }
0x193: {  	v6 =	vld [tilespmem:$0xB380]  }
0x194: {  	v0 =	vadd.f32 $0.0e+00, v0;
	v2 =	vmul.f32 v3, v2;
	v3 =	vld [tilespmem:$0xB400]  }
0x195: {  	v7 =	vld [tilespmem:s21+$0xFFFFFFE0]  }
0x196: {  	v0 =	vadd.f32 v2, v0;
	v2 =	vmul.f32 v5, v4;
	v4 =	vld [tilespmem:$0xB480]  }
0x197: {  	v5 =	vld [tilespmem:s21+$0x60]  }
0x198: {  	v0 =	vadd.f32 v2, v0;
	v1 =	vmul.f32 v1, v6;
	v2 =	vld [tilespmem:$0xB500]  }
0x199: {  	v6 =	vld [tilespmem:s21+$0xE0]  }
0x19a: {  	v0 =	vadd.f32 v1, v0;
	v1 =	vmul.f32 v7, v3;
	v3 =	vld [tilespmem:$0xB580]  }
0x19b: {  	v7 =	vld [tilespmem:s21+$0x160]  }
0x19c: {  	v0 =	vadd.f32 v1, v0;
	v1 =	vmul.f32 v5, v4;
	v4 =	vld [tilespmem:$0xB600]  }
0x19d: {  	v5 =	vld [tilespmem:s21+$0x1E0]  }
0x19e: {  	v0 =	vadd.f32 v1, v0;
	v1 =	vmul.f32 v6, v2;
	v2 =	vld [tilespmem:$0xB680]  }
0x19f: {  	v6 =	vld [tilespmem:s21+$0x260]  }
0x1a0: {  	v0 =	vadd.f32 v1, v0;
	v1 =	vmul.f32 v7, v3;
	_ =	sdelay $0x1  }
.Ltmp0:
0x1a1: {  	v0 =	vadd.f32 v1, v0;
	v1 =	vmul.f32 v5, v4;
	(pc) =	sbr.rel @p0 .LBB2_2-.Ltmp0, $3  }
0x1a2: {  	_ = 	snop  }
0x1a3: {  	v0 =	vadd.f32 v1, v0;
	v1 =	vmul.f32 v6, v2;
	_ =	sdelay $0x1  }
0x1a4: {  	v0 =	vadd.f32 v1, v0  }
0x1a5: {  	_ = 	snop  }
0x1a6: {  	[tilespmem:s22+$0xA260] =	vst v0  }
0x1a7: {  	v0 =	vld [tilespmem:$0xB200]  }
0x1a8: {  	v1 =	vld [tilespmem:s23+$0xFFFFFDF0]  }
0x1a9: {  	v2 =	vld [tilespmem:$0xB280]  }
0x1aa: {  	v3 =	vld [tilespmem:s23+$0xFFFFFE70]  }
0x1ab: {  	v4 =	vld [tilespmem:$0xB300]  }
0x1ac: {  	v5 =	vld [tilespmem:s23+$0xFFFFFEF0]  }
0x1ad: {  	v45 =	vld [tilespmem:$0xB380];
	v0 =	vmul.f32 v1, v0  }
0x1ae: {  	v6 =	vld [tilespmem:s23+$0xFFFFFF70]  }
0x1af: {  	v46 =	vld [tilespmem:$0xB400];
	v2 =	vmul.f32 v3, v2;
	v0 =	vadd.f32 $0.0e+00, v0  }
0x1b0: {  	v7 =	vld [tilespmem:s23+$0xFFFFFFF0]  }
0x1b1: {  	v48 =	vld [tilespmem:$0xB480];
	v47 =	vmul.f32 v5, v4;
	v0 =	vadd.f32 v2, v0  }
0x1b2: {  	v49 =	vld [tilespmem:s23+$0x70]  }
0x1b3: {  	v50 =	vld [tilespmem:$0xB500];
	v1 =	vmul.f32 v6, v45;
	v0 =	vadd.f32 v47, v0  }
0x1b4: {  	v51 =	vld [tilespmem:s23+$0xF0]  }
0x1b5: {  	v53 =	vld [tilespmem:$0xB580];
	v52 =	vmul.f32 v7, v46;
	v0 =	vadd.f32 v1, v0  }
0x1b6: {  	v54 =	vld [tilespmem:s23+$0x170]  }
0x1b7: {  	v56 =	vld [tilespmem:$0xB600];
	v55 =	vmul.f32 v49, v48;
	v0 =	vadd.f32 v52, v0  }
0x1b8: {  	v57 =	vld [tilespmem:s23+$0x1F0]  }
0x1b9: {  	v59 =	vld [tilespmem:$0xB680];
	v58 =	vmul.f32 v51, v50;
	v0 =	vadd.f32 v55, v0  }
0x1ba: {  	v60 =	vld [tilespmem:s23+$0x270]  }
0x1bb: {  	v61 =	vmul.f32 v54, v53;
	v0 =	vadd.f32 v58, v0;
	_ =	sdelay $0x1  }
0x1bc: {  	v62 =	vmul.f32 v57, v56;
	v0 =	vadd.f32 v61, v0;
	_ =	sdelay $0x1  }
0x1bd: {  	v63 =	vmul.f32 v60, v59;
	v0 =	vadd.f32 v62, v0;
	_ =	sdelay $0x1  }
0x1be: {  	s20 =	sadd.s32 $0x1, s20;
	v0 =	vadd.f32 v63, v0  }
0x1bf: {  	p0 =	sne.s32 s20, s7  }
.Ltmp1:
0x1c0: {  	[tilespmem:s22+$0xA270] =	vst v0;
	(pc) =	sbr.rel @p0 .LBB2_1-.Ltmp1, $4  }
0x1c1: {  	[hbm4b:s6+s3] =	stream.linear.scatter [tilespmem:s19], [sflag:$0x2], $0x1000, $0x38;
	[tilespmem:$0xBA00] =	vst v63  }
0x1c2: {  	_ =	swait.ge [sflag:s9], $0x1000  }
0x1c3: {  	[sflag:s9] =	ssyncset.done $0x0  }
0x1c4: {  	[sflag:s9] =	ssyncadd.s32 $0xFFFFF000  }
0x1c5: {  	_ =	sfence.sel $0x180000  }
0x1c6: {  	[bflag:$0x0] =	sbarrier.arrive $0xFFFF  }
0x1c7: {  	p0 =	sne.s32 s1, $0x0;
	_ =	strace $0x90000047  }
0x1c8: {  	s0 =	sadd.s32 @!p0 $0x100000, s0;
	[bflag:$0x2] =	sbarrier.arrive $0xFFFF  }
0x1c9: {  	[sflag:s0] =	ssyncadd.tile.s32 @!p0 $0x1;
	_ =	shalt  }
.Lfunc_end2:
_tile_overlayer_lowered:
.L_overlay_start_2:
0x1ca: {  	(tag) =	ssettag $0x2  }
0x1cb: {  	s0 =	rddreg [dreg:$0x0];
	s2 =	stileid.u32  }
0x1cc: {  	s1 =	rddreg [dreg:$0x1];
	p0 =	sne.s32 s2, $0x0  }
0x1cd: {  	s3 =	rddreg [dreg:$0x2];
	[bflag:$0x3] =	sbarrier.arrive $0xFFFF;
	s2 =	simm.s32 @!p0 $0x1C02  }
0x1ce: {  	[timem:s3], [sflag:s2] =	dma.local @!p0 [hbm:s0], s1  }
0x1cf: {  	s0 =	simm.s32 @!p0 $0x2  }
0x1d0: {  	_ =	swait.ge @!p0 [sflag:s0], s1  }
0x1d1: {  	s1 =	ssub.s32 @!p0 $0x0, s1;
	[sflag:s0] =	ssyncset.done @!p0 $0x0  }
0x1d2: {  	[sflag:s0] =	ssyncadd.s32 @!p0 s1  }
0x1d3: {  	[bflag:$0x3] =	sbarrier.arrive $0xFFFF  }
0x1d4: {  	_ =	shalt  }

</sc_bundles>
